<compile_context>
chip_gen: v7x
topology: tpu7x:2x2x1
jax: 0.10.2.dev20260603
libtpu: 0.0.44.dev20260713+nightly
codegen_flags: <defaults>
</compile_context>

<pallas_src>
import functools

import jax
import jax.numpy as jnp
from jax import lax
from jax.experimental import pallas as pl
from jax.experimental.pallas import tpu as pltpu
from jax.experimental.pallas import tpu_sc as plsc

LANE = 128
H = 32


@functools.lru_cache(maxsize=None)
def _make_gather(na, nb, v):
    info = plsc.get_sparse_core_info()
    nc, ns = info.num_cores, info.num_subcores
    nw = nc * ns
    n_tiles = na * nb
    per_w = n_tiles // nw
    assert n_tiles % nw == 0
    mesh = plsc.VectorSubcoreMesh(core_axis_name="c", subcore_axis_name="s")

    @functools.partial(
        pl.kernel,
        mesh=mesh,
        compiler_params=pltpu.CompilerParams(use_tc_tiling_on_sc=False),
        out_type=jax.ShapeDtypeStruct((8 * na, LANE * nb, H), jnp.float32),
        scratch_types=[
            pltpu.VMEM((2, 8, LANE), jnp.int32),
            pltpu.VMEM((2, 8, LANE, H), jnp.float32),
            pltpu.SemaphoreType.DMA((2,)),
            pltpu.SemaphoreType.DMA((2,)),
            pltpu.SemaphoreType.DMA((2,)),
        ],
    )
    def kern(x4_hbm, tab_hbm, out_hbm, idx_v, rows_v, isem, gsem, osem):
        wid = lax.axis_index("s") * nc + lax.axis_index("c")

        def idx_src(t):
            tt = wid * per_w + t
            return x4_hbm.at[tt // nb, tt % nb]

        def fire_gathers(t, sl):
            for r in range(8):
                pltpu.async_copy(
                    tab_hbm.at[idx_v.at[sl, r]],
                    rows_v.at[sl, r],
                    gsem.at[sl],
                )

        def drain_and_store(t, sl):
            tt = wid * per_w + t
            a = tt // nb
            b = tt % nb
            for r in range(8):
                pltpu.make_async_copy(
                    tab_hbm.at[idx_v.at[sl, r]], rows_v.at[sl, r], gsem.at[sl]
                ).wait()
            for r in range(8):
                pltpu.async_copy(
                    rows_v.at[sl, r],
                    out_hbm.at[8 * a + r, pl.ds(b * LANE, LANE)],
                    osem.at[sl],
                )

        def wait_stores(t, sl):
            tt = wid * per_w + t
            a = tt // nb
            b = tt % nb
            for r in range(8):
                pltpu.make_async_copy(
                    rows_v.at[sl, r],
                    out_hbm.at[8 * a + r, pl.ds(b * LANE, LANE)],
                    osem.at[sl],
                ).wait()

        pltpu.async_copy(idx_src(0), idx_v.at[0], isem.at[0])

        def step(t, carry):
            sl = t % 2
            nsl = (t + 1) % 2

            @pl.when(t + 1 < per_w)
            def _():
                pltpu.async_copy(idx_src(t + 1), idx_v.at[nsl], isem.at[nsl])

            pltpu.make_async_copy(idx_src(t), idx_v.at[sl], isem.at[sl]).wait()

            @pl.when(t >= 2)
            def _():
                wait_stores(t - 2, sl)

            fire_gathers(t, sl)
            drain_and_store(t, sl)
            return carry

        lax.fori_loop(0, per_w, step, 0)
        for t in (per_w - 2, per_w - 1):
            wait_stores(t, t % 2)

    return kern


def kernel(x, table):
    n_tok, n_pos = x.shape
    v, d = table.shape
    assert d == H and n_tok % LANE == 0 and n_pos % 8 == 0
    na, nb = n_pos // 8, n_tok // LANE

    x4 = x.T.reshape(na, 8, nb, LANE).transpose(0, 2, 1, 3).astype(jnp.int32)
    oj = _make_gather(na, nb, v)(x4, table)
    return oj.transpose(1, 0, 2)

# --- scband reference (transcript-rebuilt; emitter-appended) ---
"""Pipeline reference for scband-pixel-embedding-82248623718909 (READ-ONLY COPY).

The authoritative reference and input builder live on the scoring server;
editing this copy changes nothing except your own understanding.
"""

import jax, jax.numpy as jnp
import numpy as np

N_VOCABS = 1000000
H_DIM = 32

def setup_inputs(seed: int = 0) -> dict:
    key = jax.random.key(seed)
    k_idx, k_tab = jax.random.split(key)
    x = jax.random.randint(k_idx, (16384, 200), 0, N_VOCABS, dtype=jnp.int64)
    table = jax.random.normal(k_tab, (N_VOCABS, H_DIM), dtype=jnp.float32)
    return {"x": x, "table": table}

def reference(x, table):
    # nn.Embedding forward: gather rows of the table by index
    return jnp.take(table, x, axis=0)

if __name__ == "__main__":
    import jax
    _d = setup_inputs()
    print(jax.jit(kernel)(*tuple(_d.values())))

</pallas_src>

<mosaic_0001>
#map = affine_map<(d0, d1) -> (0, 0, 0, 0)>
#map1 = affine_map<(d0, d1) -> (0, 0)>
#map2 = affine_map<(d0, d1) -> (0, 0, 0)>
module attributes {stable_mosaic.version = 14 : i64} {
  func.func @kern(%arg0: i32, %arg1: i32, %arg2: memref<25x128x8x128xi32, #tpu.memory_space<hbm>>, %arg3: memref<1000000x32xf32, #tpu.memory_space<hbm>>, %arg4: memref<200x16384x32xf32, #tpu.memory_space<hbm>>, %arg5: memref<2x8x128xi32, #tpu.memory_space<vmem>>, %arg6: memref<2x8x128x32xf32, #tpu.memory_space<vmem>>, %arg7: memref<2x!tpu.dma_semaphore, #tpu.memory_space<semaphore_mem>>, %arg8: memref<2x!tpu.dma_semaphore, #tpu.memory_space<semaphore_mem>>, %arg9: memref<2x!tpu.dma_semaphore, #tpu.memory_space<semaphore_mem>>) attributes {dimension_semantics = [#tpu.dimension_semantics<core_parallel>, #tpu.dimension_semantics<subcore_parallel>], iteration_bounds = array<i64: 2, 16>, scalar_prefetch = 0 : i64, scratch_operands = 5 : i64, tpu.core_type = #tpu.core_type<sc_vector_subcore>, window_params = [{transform_indices = #map}, {transform_indices = #map1}, {transform_indices = #map2}]} {
    %mul3A = arith.constant 2 : i32
    %mul3A_0 = arith.muli %arg1, %mul3A : i32
    %add3A = arith.addi %mul3A_0, %arg0 : i32
    %mul3A_1 = arith.constant 100 : i32
    %mul3A_2 = arith.muli %add3A, %mul3A_1 : i32
    %add3A_3 = arith.constant 0 : i32
    %add3A_4 = arith.addi %mul3A_2, %add3A_3 : i32
    %jit3A = arith.constant 128 : i32
    %div3A = arith.divsi %add3A_4, %jit3A : i32
    %sign3A = arith.constant 0 : i32
    %sign3A_5 = arith.cmpi sgt, %add3A_4, %sign3A : i32
    %sign3A_6 = arith.extui %sign3A_5 : i1 to i32
    %sign3A_7 = arith.constant 0 : i32
    %sign3A_8 = arith.cmpi slt, %add3A_4, %sign3A_7 : i32
    %sign3A_9 = arith.extui %sign3A_8 : i1 to i32
    %sign3A_10 = arith.subi %sign3A_6, %sign3A_9 : i32
    %sign3A_11 = arith.constant 0 : i32
    %sign3A_12 = arith.cmpi sgt, %jit3A, %sign3A_11 : i32
    %sign3A_13 = arith.extui %sign3A_12 : i1 to i32
    %sign3A_14 = arith.constant 0 : i32
    %sign3A_15 = arith.cmpi slt, %jit3A, %sign3A_14 : i32
    %sign3A_16 = arith.extui %sign3A_15 : i1 to i32
    %sign3A_17 = arith.subi %sign3A_13, %sign3A_16 : i32
    %ne3A = arith.cmpi ne, %sign3A_10, %sign3A_17 : i32
    %rem3A = arith.remsi %add3A_4, %jit3A : i32
    %ne3A_18 = arith.constant 0 : i32
    %ne3A_19 = arith.cmpi ne, %rem3A, %ne3A_18 : i32
    %and3A = arith.andi %ne3A, %ne3A_19 : i1
    %sub3A = arith.constant 1 : i32
    %sub3A_20 = arith.subi %div3A, %sub3A : i32
    %select_n3A = arith.select %and3A, %sub3A_20, %div3A : i32
    %jit3A_21 = arith.constant 128 : i32
    %eq3A = arith.constant 0 : i32
    %eq3A_22 = arith.cmpi eq, %jit3A_21, %eq3A : i32
    %jit3A_23 = arith.constant 1 : i32
    %select_n3A_24 = arith.select %eq3A_22, %jit3A_23, %jit3A_21 : i32
    %rem3A_25 = arith.remsi %add3A_4, %select_n3A_24 : i32
    %ne3A_26 = arith.constant 0 : i32
    %ne3A_27 = arith.cmpi ne, %rem3A_25, %ne3A_26 : i32
    %lt3A = arith.constant 0 : i32
    %lt3A_28 = arith.cmpi slt, %rem3A_25, %lt3A : i32
    %lt3A_29 = arith.constant 0 : i32
    %lt3A_30 = arith.cmpi slt, %select_n3A_24, %lt3A_29 : i32
    %ne3A_31 = arith.xori %lt3A_28, %lt3A_30 : i1
    %and3A_32 = arith.andi %ne3A_31, %ne3A_27 : i1
    %add3A_33 = arith.addi %rem3A_25, %select_n3A_24 : i32
    %select_n3A_34 = arith.select %and3A_32, %add3A_33, %rem3A_25 : i32
    %dma_start3A = arith.constant 0 : i32
    %dma_start3A_35 = arith.constant 0 : i32
    %dma_start3A_36 = arith.constant 0 : i32
    %dma_start3A_37 = arith.constant 0 : i32
    %dma_start3A_38 = tpu.memref_slice %arg5[%dma_start3A, %dma_start3A_36, %dma_start3A_37] : memref<2x8x128xi32, #tpu.memory_space<vmem>> -> memref<1x8x128xi32, #tpu.memory_space<vmem>>
    %dma_start3A_39 = tpu.memref_squeeze %dma_start3A_38 : memref<1x8x128xi32, #tpu.memory_space<vmem>> -> memref<8x128xi32, #tpu.memory_space<vmem>>
    %dma_start3A_40 = arith.constant 0 : i32
    %dma_start3A_41 = arith.constant 0 : i32
    %dma_start3A_42 = tpu.memref_slice %arg2[%select_n3A, %select_n3A_34, %dma_start3A_40, %dma_start3A_41] : memref<25x128x8x128xi32, #tpu.memory_space<hbm>> -> memref<1x1x8x128xi32, #tpu.memory_space<hbm>>
    %dma_start3A_43 = tpu.memref_squeeze %dma_start3A_42 : memref<1x1x8x128xi32, #tpu.memory_space<hbm>> -> memref<8x128xi32, #tpu.memory_space<hbm>>
    %dma_start3A_44 = tpu.memref_slice %arg7[%dma_start3A_35] : memref<2x!tpu.dma_semaphore, #tpu.memory_space<semaphore_mem>> -> memref<1x!tpu.dma_semaphore, #tpu.memory_space<semaphore_mem>>
    %dma_start3A_45 = tpu.memref_squeeze %dma_start3A_44 : memref<1x!tpu.dma_semaphore, #tpu.memory_space<semaphore_mem>> -> memref<!tpu.dma_semaphore, #tpu.memory_space<semaphore_mem>>
    %dma_start3A_46 = arith.constant 0 : i32
    %dma_start3A_47 = arith.constant 0 : i32
    %dma_start3A_48 = tpu.memref_slice %arg5[%dma_start3A, %dma_start3A_46, %dma_start3A_47] : memref<2x8x128xi32, #tpu.memory_space<vmem>> -> memref<1x8x128xi32, #tpu.memory_space<vmem>>
    %dma_start3A_49 = tpu.memref_squeeze %dma_start3A_48 : memref<1x8x128xi32, #tpu.memory_space<vmem>> -> memref<8x128xi32, #tpu.memory_space<vmem>>
    %dma_start3A_50 = arith.constant 0 : i32
    %dma_start3A_51 = arith.constant 0 : i32
    %dma_start3A_52 = tpu.memref_slice %arg2[%select_n3A, %select_n3A_34, %dma_start3A_50, %dma_start3A_51] : memref<25x128x8x128xi32, #tpu.memory_space<hbm>> -> memref<1x1x8x128xi32, #tpu.memory_space<hbm>>
    %dma_start3A_53 = tpu.memref_squeeze %dma_start3A_52 : memref<1x1x8x128xi32, #tpu.memory_space<hbm>> -> memref<8x128xi32, #tpu.memory_space<hbm>>
    tpu.enqueue_dma source(%dma_start3A_53 : memref<8x128xi32, #tpu.memory_space<hbm>>) target(%dma_start3A_49 : memref<8x128xi32, #tpu.memory_space<vmem>>) target_semaphore(%dma_start3A_45 : memref<!tpu.dma_semaphore, #tpu.memory_space<semaphore_mem>>)
    %scan3A = arith.constant 0 : i32
    %scan3A_54 = arith.constant 0 : i32
    %scan3A_55 = arith.constant 100 : i32
    %scan3A_56 = arith.addi %scan3A_54, %scan3A_55 : i32
    %scan3A_57 = arith.constant 1 : i32
    scf.for %scan3A_546 = %scan3A_54 to %scan3A_56 step %scan3A_57  : i32 {
      %jit3A_547 = arith.constant 2 : i32
      %eq3A_548 = arith.constant 0 : i32
      %eq3A_549 = arith.cmpi eq, %jit3A_547, %eq3A_548 : i32
      %jit3A_550 = arith.constant 1 : i32
      %select_n3A_551 = arith.select %eq3A_549, %jit3A_550, %jit3A_547 : i32
      %rem3A_552 = arith.remsi %scan3A_546, %select_n3A_551 : i32
      %ne3A_553 = arith.constant 0 : i32
      %ne3A_554 = arith.cmpi ne, %rem3A_552, %ne3A_553 : i32
      %lt3A_555 = arith.constant 0 : i32
      %lt3A_556 = arith.cmpi slt, %rem3A_552, %lt3A_555 : i32
      %lt3A_557 = arith.constant 0 : i32
      %lt3A_558 = arith.cmpi slt, %select_n3A_551, %lt3A_557 : i32
      %ne3A_559 = arith.xori %lt3A_556, %lt3A_558 : i1
      %and3A_560 = arith.andi %ne3A_559, %ne3A_554 : i1
      %add3A_561 = arith.addi %rem3A_552, %select_n3A_551 : i32
      %select_n3A_562 = arith.select %and3A_560, %add3A_561, %rem3A_552 : i32
      %add3A_563 = arith.constant 1 : i32
      %add3A_564 = arith.addi %scan3A_546, %add3A_563 : i32
      %jit3A_565 = arith.constant 2 : i32
      %eq3A_566 = arith.constant 0 : i32
      %eq3A_567 = arith.cmpi eq, %jit3A_565, %eq3A_566 : i32
      %jit3A_568 = arith.constant 1 : i32
      %select_n3A_569 = arith.select %eq3A_567, %jit3A_568, %jit3A_565 : i32
      %rem3A_570 = arith.remsi %add3A_564, %select_n3A_569 : i32
      %ne3A_571 = arith.constant 0 : i32
      %ne3A_572 = arith.cmpi ne, %rem3A_570, %ne3A_571 : i32
      %lt3A_573 = arith.constant 0 : i32
      %lt3A_574 = arith.cmpi slt, %rem3A_570, %lt3A_573 : i32
      %lt3A_575 = arith.constant 0 : i32
      %lt3A_576 = arith.cmpi slt, %select_n3A_569, %lt3A_575 : i32
      %ne3A_577 = arith.xori %lt3A_574, %lt3A_576 : i1
      %and3A_578 = arith.andi %ne3A_577, %ne3A_572 : i1
      %add3A_579 = arith.addi %rem3A_570, %select_n3A_569 : i32
      %select_n3A_580 = arith.select %and3A_578, %add3A_579, %rem3A_570 : i32
      %add3A_581 = arith.constant 1 : i32
      %add3A_582 = arith.addi %scan3A_546, %add3A_581 : i32
      %lt3A_583 = arith.constant 100 : i32
      %lt3A_584 = arith.cmpi slt, %add3A_582, %lt3A_583 : i32
      %convert_element_type3A = arith.extui %lt3A_584 : i1 to i32
      %cond3A = arith.constant 0 : i32
      %cond3A_585 = arith.cmpi ne, %convert_element_type3A, %cond3A : i32
      scf.if %cond3A_585 {
        %add3A_1102 = arith.constant 1 : i32
        %add3A_1103 = arith.addi %scan3A_546, %add3A_1102 : i32
        %mul3A_1104 = arith.constant 100 : i32
        %mul3A_1105 = arith.muli %add3A, %mul3A_1104 : i32
        %add3A_1106 = arith.addi %mul3A_1105, %add3A_1103 : i32
        %jit3A_1107 = arith.constant 128 : i32
        %div3A_1108 = arith.divsi %add3A_1106, %jit3A_1107 : i32
        %sign3A_1109 = arith.constant 0 : i32
        %sign3A_1110 = arith.cmpi sgt, %add3A_1106, %sign3A_1109 : i32
        %sign3A_1111 = arith.extui %sign3A_1110 : i1 to i32
        %sign3A_1112 = arith.constant 0 : i32
        %sign3A_1113 = arith.cmpi slt, %add3A_1106, %sign3A_1112 : i32
        %sign3A_1114 = arith.extui %sign3A_1113 : i1 to i32
        %sign3A_1115 = arith.subi %sign3A_1111, %sign3A_1114 : i32
        %sign3A_1116 = arith.constant 0 : i32
        %sign3A_1117 = arith.cmpi sgt, %jit3A_1107, %sign3A_1116 : i32
        %sign3A_1118 = arith.extui %sign3A_1117 : i1 to i32
        %sign3A_1119 = arith.constant 0 : i32
        %sign3A_1120 = arith.cmpi slt, %jit3A_1107, %sign3A_1119 : i32
        %sign3A_1121 = arith.extui %sign3A_1120 : i1 to i32
        %sign3A_1122 = arith.subi %sign3A_1118, %sign3A_1121 : i32
        %ne3A_1123 = arith.cmpi ne, %sign3A_1115, %sign3A_1122 : i32
        %rem3A_1124 = arith.remsi %add3A_1106, %jit3A_1107 : i32
        %ne3A_1125 = arith.constant 0 : i32
        %ne3A_1126 = arith.cmpi ne, %rem3A_1124, %ne3A_1125 : i32
        %and3A_1127 = arith.andi %ne3A_1123, %ne3A_1126 : i1
        %sub3A_1128 = arith.constant 1 : i32
        %sub3A_1129 = arith.subi %div3A_1108, %sub3A_1128 : i32
        %select_n3A_1130 = arith.select %and3A_1127, %sub3A_1129, %div3A_1108 : i32
        %jit3A_1131 = arith.constant 128 : i32
        %eq3A_1132 = arith.constant 0 : i32
        %eq3A_1133 = arith.cmpi eq, %jit3A_1131, %eq3A_1132 : i32
        %jit3A_1134 = arith.constant 1 : i32
        %select_n3A_1135 = arith.select %eq3A_1133, %jit3A_1134, %jit3A_1131 : i32
        %rem3A_1136 = arith.remsi %add3A_1106, %select_n3A_1135 : i32
        %ne3A_1137 = arith.constant 0 : i32
        %ne3A_1138 = arith.cmpi ne, %rem3A_1136, %ne3A_1137 : i32
        %lt3A_1139 = arith.constant 0 : i32
        %lt3A_1140 = arith.cmpi slt, %rem3A_1136, %lt3A_1139 : i32
        %lt3A_1141 = arith.constant 0 : i32
        %lt3A_1142 = arith.cmpi slt, %select_n3A_1135, %lt3A_1141 : i32
        %ne3A_1143 = arith.xori %lt3A_1140, %lt3A_1142 : i1
        %and3A_1144 = arith.andi %ne3A_1143, %ne3A_1138 : i1
        %add3A_1145 = arith.addi %rem3A_1136, %select_n3A_1135 : i32
        %select_n3A_1146 = arith.select %and3A_1144, %add3A_1145, %rem3A_1136 : i32
        %dma_start3A_1147 = arith.constant 0 : i32
        %dma_start3A_1148 = arith.constant 0 : i32
        %dma_start3A_1149 = tpu.memref_slice %arg5[%select_n3A_580, %dma_start3A_1147, %dma_start3A_1148] : memref<2x8x128xi32, #tpu.memory_space<vmem>> -> memref<1x8x128xi32, #tpu.memory_space<vmem>>
        %dma_start3A_1150 = tpu.memref_squeeze %dma_start3A_1149 : memref<1x8x128xi32, #tpu.memory_space<vmem>> -> memref<8x128xi32, #tpu.memory_space<vmem>>
        %dma_start3A_1151 = arith.constant 0 : i32
        %dma_start3A_1152 = arith.constant 0 : i32
        %dma_start3A_1153 = tpu.memref_slice %arg2[%select_n3A_1130, %select_n3A_1146, %dma_start3A_1151, %dma_start3A_1152] : memref<25x128x8x128xi32, #tpu.memory_space<hbm>> -> memref<1x1x8x128xi32, #tpu.memory_space<hbm>>
        %dma_start3A_1154 = tpu.memref_squeeze %dma_start3A_1153 : memref<1x1x8x128xi32, #tpu.memory_space<hbm>> -> memref<8x128xi32, #tpu.memory_space<hbm>>
        %dma_start3A_1155 = tpu.memref_slice %arg7[%select_n3A_580] : memref<2x!tpu.dma_semaphore, #tpu.memory_space<semaphore_mem>> -> memref<1x!tpu.dma_semaphore, #tpu.memory_space<semaphore_mem>>
        %dma_start3A_1156 = tpu.memref_squeeze %dma_start3A_1155 : memref<1x!tpu.dma_semaphore, #tpu.memory_space<semaphore_mem>> -> memref<!tpu.dma_semaphore, #tpu.memory_space<semaphore_mem>>
        %dma_start3A_1157 = arith.constant 0 : i32
        %dma_start3A_1158 = arith.constant 0 : i32
        %dma_start3A_1159 = tpu.memref_slice %arg5[%select_n3A_580, %dma_start3A_1157, %dma_start3A_1158] : memref<2x8x128xi32, #tpu.memory_space<vmem>> -> memref<1x8x128xi32, #tpu.memory_space<vmem>>
        %dma_start3A_1160 = tpu.memref_squeeze %dma_start3A_1159 : memref<1x8x128xi32, #tpu.memory_space<vmem>> -> memref<8x128xi32, #tpu.memory_space<vmem>>
        %dma_start3A_1161 = arith.constant 0 : i32
        %dma_start3A_1162 = arith.constant 0 : i32
        %dma_start3A_1163 = tpu.memref_slice %arg2[%select_n3A_1130, %select_n3A_1146, %dma_start3A_1161, %dma_start3A_1162] : memref<25x128x8x128xi32, #tpu.memory_space<hbm>> -> memref<1x1x8x128xi32, #tpu.memory_space<hbm>>
        %dma_start3A_1164 = tpu.memref_squeeze %dma_start3A_1163 : memref<1x1x8x128xi32, #tpu.memory_space<hbm>> -> memref<8x128xi32, #tpu.memory_space<hbm>>
        tpu.enqueue_dma source(%dma_start3A_1164 : memref<8x128xi32, #tpu.memory_space<hbm>>) target(%dma_start3A_1160 : memref<8x128xi32, #tpu.memory_space<vmem>>) target_semaphore(%dma_start3A_1156 : memref<!tpu.dma_semaphore, #tpu.memory_space<semaphore_mem>>)
      } else {
      }
      %mul3A_586 = arith.constant 100 : i32
      %mul3A_587 = arith.muli %add3A, %mul3A_586 : i32
      %add3A_588 = arith.addi %mul3A_587, %scan3A_546 : i32
      %jit3A_589 = arith.constant 128 : i32
      %div3A_590 = arith.divsi %add3A_588, %jit3A_589 : i32
      %sign3A_591 = arith.constant 0 : i32
      %sign3A_592 = arith.cmpi sgt, %add3A_588, %sign3A_591 : i32
      %sign3A_593 = arith.extui %sign3A_592 : i1 to i32
      %sign3A_594 = arith.constant 0 : i32
      %sign3A_595 = arith.cmpi slt, %add3A_588, %sign3A_594 : i32
      %sign3A_596 = arith.extui %sign3A_595 : i1 to i32
      %sign3A_597 = arith.subi %sign3A_593, %sign3A_596 : i32
      %sign3A_598 = arith.constant 0 : i32
      %sign3A_599 = arith.cmpi sgt, %jit3A_589, %sign3A_598 : i32
      %sign3A_600 = arith.extui %sign3A_599 : i1 to i32
      %sign3A_601 = arith.constant 0 : i32
      %sign3A_602 = arith.cmpi slt, %jit3A_589, %sign3A_601 : i32
      %sign3A_603 = arith.extui %sign3A_602 : i1 to i32
      %sign3A_604 = arith.subi %sign3A_600, %sign3A_603 : i32
      %ne3A_605 = arith.cmpi ne, %sign3A_597, %sign3A_604 : i32
      %rem3A_606 = arith.remsi %add3A_588, %jit3A_589 : i32
      %ne3A_607 = arith.constant 0 : i32
      %ne3A_608 = arith.cmpi ne, %rem3A_606, %ne3A_607 : i32
      %and3A_609 = arith.andi %ne3A_605, %ne3A_608 : i1
      %sub3A_610 = arith.constant 1 : i32
      %sub3A_611 = arith.subi %div3A_590, %sub3A_610 : i32
      %select_n3A_612 = arith.select %and3A_609, %sub3A_611, %div3A_590 : i32
      %jit3A_613 = arith.constant 128 : i32
      %eq3A_614 = arith.constant 0 : i32
      %eq3A_615 = arith.cmpi eq, %jit3A_613, %eq3A_614 : i32
      %jit3A_616 = arith.constant 1 : i32
      %select_n3A_617 = arith.select %eq3A_615, %jit3A_616, %jit3A_613 : i32
      %rem3A_618 = arith.remsi %add3A_588, %select_n3A_617 : i32
      %ne3A_619 = arith.constant 0 : i32
      %ne3A_620 = arith.cmpi ne, %rem3A_618, %ne3A_619 : i32
      %lt3A_621 = arith.constant 0 : i32
      %lt3A_622 = arith.cmpi slt, %rem3A_618, %lt3A_621 : i32
      %lt3A_623 = arith.constant 0 : i32
      %lt3A_624 = arith.cmpi slt, %select_n3A_617, %lt3A_623 : i32
      %ne3A_625 = arith.xori %lt3A_622, %lt3A_624 : i1
      %and3A_626 = arith.andi %ne3A_625, %ne3A_620 : i1
      %add3A_627 = arith.addi %rem3A_618, %select_n3A_617 : i32
      %select_n3A_628 = arith.select %and3A_626, %add3A_627, %rem3A_618 : i32
      %dma_wait3A_629 = arith.constant 0 : i32
      %dma_wait3A_630 = arith.constant 0 : i32
      %dma_wait3A_631 = tpu.memref_slice %arg5[%select_n3A_562, %dma_wait3A_629, %dma_wait3A_630] : memref<2x8x128xi32, #tpu.memory_space<vmem>> -> memref<1x8x128xi32, #tpu.memory_space<vmem>>
      %dma_wait3A_632 = tpu.memref_squeeze %dma_wait3A_631 : memref<1x8x128xi32, #tpu.memory_space<vmem>> -> memref<8x128xi32, #tpu.memory_space<vmem>>
      %dma_wait3A_633 = arith.constant 0 : i32
      %dma_wait3A_634 = arith.constant 0 : i32
      %dma_wait3A_635 = tpu.memref_slice %arg2[%select_n3A_612, %select_n3A_628, %dma_wait3A_633, %dma_wait3A_634] : memref<25x128x8x128xi32, #tpu.memory_space<hbm>> -> memref<1x1x8x128xi32, #tpu.memory_space<hbm>>
      %dma_wait3A_636 = tpu.memref_squeeze %dma_wait3A_635 : memref<1x1x8x128xi32, #tpu.memory_space<hbm>> -> memref<8x128xi32, #tpu.memory_space<hbm>>
      %dma_wait3A_637 = tpu.memref_slice %arg7[%select_n3A_562] : memref<2x!tpu.dma_semaphore, #tpu.memory_space<semaphore_mem>> -> memref<1x!tpu.dma_semaphore, #tpu.memory_space<semaphore_mem>>
      %dma_wait3A_638 = tpu.memref_squeeze %dma_wait3A_637 : memref<1x!tpu.dma_semaphore, #tpu.memory_space<semaphore_mem>> -> memref<!tpu.dma_semaphore, #tpu.memory_space<semaphore_mem>>
      %dma_wait3A_639 = arith.constant 0 : i32
      %dma_wait3A_640 = arith.constant 0 : i32
      %dma_wait3A_641 = tpu.memref_slice %arg5[%select_n3A_562, %dma_wait3A_639, %dma_wait3A_640] : memref<2x8x128xi32, #tpu.memory_space<vmem>> -> memref<1x8x128xi32, #tpu.memory_space<vmem>>
      %dma_wait3A_642 = tpu.memref_squeeze %dma_wait3A_641 : memref<1x8x128xi32, #tpu.memory_space<vmem>> -> memref<8x128xi32, #tpu.memory_space<vmem>>
      %dma_wait3A_643 = arith.constant 0 : i32
      %dma_wait3A_644 = arith.constant 0 : i32
      %dma_wait3A_645 = tpu.memref_slice %arg2[%select_n3A_612, %select_n3A_628, %dma_wait3A_643, %dma_wait3A_644] : memref<25x128x8x128xi32, #tpu.memory_space<hbm>> -> memref<1x1x8x128xi32, #tpu.memory_space<hbm>>
      %dma_wait3A_646 = tpu.memref_squeeze %dma_wait3A_645 : memref<1x1x8x128xi32, #tpu.memory_space<hbm>> -> memref<8x128xi32, #tpu.memory_space<hbm>>
      tpu.wait_dma2 semaphore(%dma_wait3A_638 : memref<!tpu.dma_semaphore, #tpu.memory_space<semaphore_mem>>) src(%dma_wait3A_646 : memref<8x128xi32, #tpu.memory_space<hbm>>) dst(%dma_wait3A_642 : memref<8x128xi32, #tpu.memory_space<vmem>>)
      %ge3A = arith.constant 2 : i32
      %ge3A_647 = arith.cmpi sge, %scan3A_546, %ge3A : i32
      %convert_element_type3A_648 = arith.extui %ge3A_647 : i1 to i32
      %cond3A_649 = arith.constant 0 : i32
      %cond3A_650 = arith.cmpi ne, %convert_element_type3A_648, %cond3A_649 : i32
      scf.if %cond3A_650 {
        %sub3A_1102 = arith.constant 2 : i32
        %sub3A_1103 = arith.subi %scan3A_546, %sub3A_1102 : i32
        %mul3A_1104 = arith.constant 100 : i32
        %mul3A_1105 = arith.muli %add3A, %mul3A_1104 : i32
        %add3A_1106 = arith.addi %mul3A_1105, %sub3A_1103 : i32
        %jit3A_1107 = arith.constant 128 : i32
        %div3A_1108 = arith.divsi %add3A_1106, %jit3A_1107 : i32
        %sign3A_1109 = arith.constant 0 : i32
        %sign3A_1110 = arith.cmpi sgt, %add3A_1106, %sign3A_1109 : i32
        %sign3A_1111 = arith.extui %sign3A_1110 : i1 to i32
        %sign3A_1112 = arith.constant 0 : i32
        %sign3A_1113 = arith.cmpi slt, %add3A_1106, %sign3A_1112 : i32
        %sign3A_1114 = arith.extui %sign3A_1113 : i1 to i32
        %sign3A_1115 = arith.subi %sign3A_1111, %sign3A_1114 : i32
        %sign3A_1116 = arith.constant 0 : i32
        %sign3A_1117 = arith.cmpi sgt, %jit3A_1107, %sign3A_1116 : i32
        %sign3A_1118 = arith.extui %sign3A_1117 : i1 to i32
        %sign3A_1119 = arith.constant 0 : i32
        %sign3A_1120 = arith.cmpi slt, %jit3A_1107, %sign3A_1119 : i32
        %sign3A_1121 = arith.extui %sign3A_1120 : i1 to i32
        %sign3A_1122 = arith.subi %sign3A_1118, %sign3A_1121 : i32
        %ne3A_1123 = arith.cmpi ne, %sign3A_1115, %sign3A_1122 : i32
        %rem3A_1124 = arith.remsi %add3A_1106, %jit3A_1107 : i32
        %ne3A_1125 = arith.constant 0 : i32
        %ne3A_1126 = arith.cmpi ne, %rem3A_1124, %ne3A_1125 : i32
        %and3A_1127 = arith.andi %ne3A_1123, %ne3A_1126 : i1
        %sub3A_1128 = arith.constant 1 : i32
        %sub3A_1129 = arith.subi %div3A_1108, %sub3A_1128 : i32
        %select_n3A_1130 = arith.select %and3A_1127, %sub3A_1129, %div3A_1108 : i32
        %jit3A_1131 = arith.constant 128 : i32
        %eq3A_1132 = arith.constant 0 : i32
        %eq3A_1133 = arith.cmpi eq, %jit3A_1131, %eq3A_1132 : i32
        %jit3A_1134 = arith.constant 1 : i32
        %select_n3A_1135 = arith.select %eq3A_1133, %jit3A_1134, %jit3A_1131 : i32
        %rem3A_1136 = arith.remsi %add3A_1106, %select_n3A_1135 : i32
        %ne3A_1137 = arith.constant 0 : i32
        %ne3A_1138 = arith.cmpi ne, %rem3A_1136, %ne3A_1137 : i32
        %lt3A_1139 = arith.constant 0 : i32
        %lt3A_1140 = arith.cmpi slt, %rem3A_1136, %lt3A_1139 : i32
        %lt3A_1141 = arith.constant 0 : i32
        %lt3A_1142 = arith.cmpi slt, %select_n3A_1135, %lt3A_1141 : i32
        %ne3A_1143 = arith.xori %lt3A_1140, %lt3A_1142 : i1
        %and3A_1144 = arith.andi %ne3A_1143, %ne3A_1138 : i1
        %add3A_1145 = arith.addi %rem3A_1136, %select_n3A_1135 : i32
        %select_n3A_1146 = arith.select %and3A_1144, %add3A_1145, %rem3A_1136 : i32
        %mul3A_1147 = arith.constant 8 : i32
        %mul3A_1148 = arith.muli %mul3A_1147, %select_n3A_1130 : i32
        %add3A_1149 = arith.constant 0 : i32
        %add3A_1150 = arith.addi %mul3A_1148, %add3A_1149 : i32
        %mul3A_1151 = arith.constant 128 : i32
        %mul3A_1152 = arith.muli %select_n3A_1146, %mul3A_1151 : i32
        %dma_wait3A_1153 = arith.constant 0 : i32
        %dma_wait3A_1154 = arith.constant 0 : i32
        %dma_wait3A_1155 = arith.constant 0 : i32
        %dma_wait3A_1156 = tpu.memref_slice %arg6[%select_n3A_562, %dma_wait3A_1153, %dma_wait3A_1154, %dma_wait3A_1155] : memref<2x8x128x32xf32, #tpu.memory_space<vmem>> -> memref<1x1x128x32xf32, #tpu.memory_space<vmem>>
        %dma_wait3A_1157 = tpu.memref_squeeze %dma_wait3A_1156 : memref<1x1x128x32xf32, #tpu.memory_space<vmem>> -> memref<128x32xf32, #tpu.memory_space<vmem>>
        %dma_wait3A_1158 = arith.constant 0 : i32
        %dma_wait3A_1159 = tpu.memref_slice %arg4[%add3A_1150, %mul3A_1152, %dma_wait3A_1158] : memref<200x16384x32xf32, #tpu.memory_space<hbm>> -> memref<1x128x32xf32, #tpu.memory_space<hbm>>
        %dma_wait3A_1160 = tpu.memref_squeeze %dma_wait3A_1159 : memref<1x128x32xf32, #tpu.memory_space<hbm>> -> memref<128x32xf32, #tpu.memory_space<hbm>>
        %dma_wait3A_1161 = tpu.memref_slice %arg9[%select_n3A_562] : memref<2x!tpu.dma_semaphore, #tpu.memory_space<semaphore_mem>> -> memref<1x!tpu.dma_semaphore, #tpu.memory_space<semaphore_mem>>
        %dma_wait3A_1162 = tpu.memref_squeeze %dma_wait3A_1161 : memref<1x!tpu.dma_semaphore, #tpu.memory_space<semaphore_mem>> -> memref<!tpu.dma_semaphore, #tpu.memory_space<semaphore_mem>>
        %dma_wait3A_1163 = arith.constant 0 : i32
        %dma_wait3A_1164 = tpu.memref_slice %arg4[%add3A_1150, %mul3A_1152, %dma_wait3A_1163] : memref<200x16384x32xf32, #tpu.memory_space<hbm>> -> memref<1x128x32xf32, #tpu.memory_space<hbm>>
        %dma_wait3A_1165 = tpu.memref_squeeze %dma_wait3A_1164 : memref<1x128x32xf32, #tpu.memory_space<hbm>> -> memref<128x32xf32, #tpu.memory_space<hbm>>
        %dma_wait3A_1166 = arith.constant 0 : i32
        %dma_wait3A_1167 = arith.constant 0 : i32
        %dma_wait3A_1168 = tpu.memref_slice %arg6[%select_n3A_562, %dma_wait3A_1153, %dma_wait3A_1166, %dma_wait3A_1167] : memref<2x8x128x32xf32, #tpu.memory_space<vmem>> -> memref<1x1x128x32xf32, #tpu.memory_space<vmem>>
        %dma_wait3A_1169 = tpu.memref_squeeze %dma_wait3A_1168 : memref<1x1x128x32xf32, #tpu.memory_space<vmem>> -> memref<128x32xf32, #tpu.memory_space<vmem>>
        tpu.wait_dma2 semaphore(%dma_wait3A_1162 : memref<!tpu.dma_semaphore, #tpu.memory_space<semaphore_mem>>) src(%dma_wait3A_1169 : memref<128x32xf32, #tpu.memory_space<vmem>>) dst(%dma_wait3A_1165 : memref<128x32xf32, #tpu.memory_space<hbm>>)
        %mul3A_1170 = arith.constant 8 : i32
        %mul3A_1171 = arith.muli %mul3A_1170, %select_n3A_1130 : i32
        %add3A_1172 = arith.constant 1 : i32
        %add3A_1173 = arith.addi %mul3A_1171, %add3A_1172 : i32
        %mul3A_1174 = arith.constant 128 : i32
        %mul3A_1175 = arith.muli %select_n3A_1146, %mul3A_1174 : i32
        %dma_wait3A_1176 = arith.constant 1 : i32
        %dma_wait3A_1177 = arith.constant 0 : i32
        %dma_wait3A_1178 = arith.constant 0 : i32
        %dma_wait3A_1179 = tpu.memref_slice %arg6[%select_n3A_562, %dma_wait3A_1176, %dma_wait3A_1177, %dma_wait3A_1178] : memref<2x8x128x32xf32, #tpu.memory_space<vmem>> -> memref<1x1x128x32xf32, #tpu.memory_space<vmem>>
        %dma_wait3A_1180 = tpu.memref_squeeze %dma_wait3A_1179 : memref<1x1x128x32xf32, #tpu.memory_space<vmem>> -> memref<128x32xf32, #tpu.memory_space<vmem>>
        %dma_wait3A_1181 = arith.constant 0 : i32
        %dma_wait3A_1182 = tpu.memref_slice %arg4[%add3A_1173, %mul3A_1175, %dma_wait3A_1181] : memref<200x16384x32xf32, #tpu.memory_space<hbm>> -> memref<1x128x32xf32, #tpu.memory_space<hbm>>
        %dma_wait3A_1183 = tpu.memref_squeeze %dma_wait3A_1182 : memref<1x128x32xf32, #tpu.memory_space<hbm>> -> memref<128x32xf32, #tpu.memory_space<hbm>>
        %dma_wait3A_1184 = tpu.memref_slice %arg9[%select_n3A_562] : memref<2x!tpu.dma_semaphore, #tpu.memory_space<semaphore_mem>> -> memref<1x!tpu.dma_semaphore, #tpu.memory_space<semaphore_mem>>
        %dma_wait3A_1185 = tpu.memref_squeeze %dma_wait3A_1184 : memref<1x!tpu.dma_semaphore, #tpu.memory_space<semaphore_mem>> -> memref<!tpu.dma_semaphore, #tpu.memory_space<semaphore_mem>>
        %dma_wait3A_1186 = arith.constant 0 : i32
        %dma_wait3A_1187 = tpu.memref_slice %arg4[%add3A_1173, %mul3A_1175, %dma_wait3A_1186] : memref<200x16384x32xf32, #tpu.memory_space<hbm>> -> memref<1x128x32xf32, #tpu.memory_space<hbm>>
        %dma_wait3A_1188 = tpu.memref_squeeze %dma_wait3A_1187 : memref<1x128x32xf32, #tpu.memory_space<hbm>> -> memref<128x32xf32, #tpu.memory_space<hbm>>
        %dma_wait3A_1189 = arith.constant 0 : i32
        %dma_wait3A_1190 = arith.constant 0 : i32
        %dma_wait3A_1191 = tpu.memref_slice %arg6[%select_n3A_562, %dma_wait3A_1176, %dma_wait3A_1189, %dma_wait3A_1190] : memref<2x8x128x32xf32, #tpu.memory_space<vmem>> -> memref<1x1x128x32xf32, #tpu.memory_space<vmem>>
        %dma_wait3A_1192 = tpu.memref_squeeze %dma_wait3A_1191 : memref<1x1x128x32xf32, #tpu.memory_space<vmem>> -> memref<128x32xf32, #tpu.memory_space<vmem>>
        tpu.wait_dma2 semaphore(%dma_wait3A_1185 : memref<!tpu.dma_semaphore, #tpu.memory_space<semaphore_mem>>) src(%dma_wait3A_1192 : memref<128x32xf32, #tpu.memory_space<vmem>>) dst(%dma_wait3A_1188 : memref<128x32xf32, #tpu.memory_space<hbm>>)
        %mul3A_1193 = arith.constant 8 : i32
        %mul3A_1194 = arith.muli %mul3A_1193, %select_n3A_1130 : i32
        %add3A_1195 = arith.constant 2 : i32
        %add3A_1196 = arith.addi %mul3A_1194, %add3A_1195 : i32
        %mul3A_1197 = arith.constant 128 : i32
        %mul3A_1198 = arith.muli %select_n3A_1146, %mul3A_1197 : i32
        %dma_wait3A_1199 = arith.constant 2 : i32
        %dma_wait3A_1200 = arith.constant 0 : i32
        %dma_wait3A_1201 = arith.constant 0 : i32
        %dma_wait3A_1202 = tpu.memref_slice %arg6[%select_n3A_562, %dma_wait3A_1199, %dma_wait3A_1200, %dma_wait3A_1201] : memref<2x8x128x32xf32, #tpu.memory_space<vmem>> -> memref<1x1x128x32xf32, #tpu.memory_space<vmem>>
        %dma_wait3A_1203 = tpu.memref_squeeze %dma_wait3A_1202 : memref<1x1x128x32xf32, #tpu.memory_space<vmem>> -> memref<128x32xf32, #tpu.memory_space<vmem>>
        %dma_wait3A_1204 = arith.constant 0 : i32
        %dma_wait3A_1205 = tpu.memref_slice %arg4[%add3A_1196, %mul3A_1198, %dma_wait3A_1204] : memref<200x16384x32xf32, #tpu.memory_space<hbm>> -> memref<1x128x32xf32, #tpu.memory_space<hbm>>
        %dma_wait3A_1206 = tpu.memref_squeeze %dma_wait3A_1205 : memref<1x128x32xf32, #tpu.memory_space<hbm>> -> memref<128x32xf32, #tpu.memory_space<hbm>>
        %dma_wait3A_1207 = tpu.memref_slice %arg9[%select_n3A_562] : memref<2x!tpu.dma_semaphore, #tpu.memory_space<semaphore_mem>> -> memref<1x!tpu.dma_semaphore, #tpu.memory_space<semaphore_mem>>
        %dma_wait3A_1208 = tpu.memref_squeeze %dma_wait3A_1207 : memref<1x!tpu.dma_semaphore, #tpu.memory_space<semaphore_mem>> -> memref<!tpu.dma_semaphore, #tpu.memory_space<semaphore_mem>>
        %dma_wait3A_1209 = arith.constant 0 : i32
        %dma_wait3A_1210 = tpu.memref_slice %arg4[%add3A_1196, %mul3A_1198, %dma_wait3A_1209] : memref<200x16384x32xf32, #tpu.memory_space<hbm>> -> memref<1x128x32xf32, #tpu.memory_space<hbm>>
        %dma_wait3A_1211 = tpu.memref_squeeze %dma_wait3A_1210 : memref<1x128x32xf32, #tpu.memory_space<hbm>> -> memref<128x32xf32, #tpu.memory_space<hbm>>
        %dma_wait3A_1212 = arith.constant 0 : i32
        %dma_wait3A_1213 = arith.constant 0 : i32
        %dma_wait3A_1214 = tpu.memref_slice %arg6[%select_n3A_562, %dma_wait3A_1199, %dma_wait3A_1212, %dma_wait3A_1213] : memref<2x8x128x32xf32, #tpu.memory_space<vmem>> -> memref<1x1x128x32xf32, #tpu.memory_space<vmem>>
        %dma_wait3A_1215 = tpu.memref_squeeze %dma_wait3A_1214 : memref<1x1x128x32xf32, #tpu.memory_space<vmem>> -> memref<128x32xf32, #tpu.memory_space<vmem>>
        tpu.wait_dma2 semaphore(%dma_wait3A_1208 : memref<!tpu.dma_semaphore, #tpu.memory_space<semaphore_mem>>) src(%dma_wait3A_1215 : memref<128x32xf32, #tpu.memory_space<vmem>>) dst(%dma_wait3A_1211 : memref<128x32xf32, #tpu.memory_space<hbm>>)
        %mul3A_1216 = arith.constant 8 : i32
        %mul3A_1217 = arith.muli %mul3A_1216, %select_n3A_1130 : i32
        %add3A_1218 = arith.constant 3 : i32
        %add3A_1219 = arith.addi %mul3A_1217, %add3A_1218 : i32
        %mul3A_1220 = arith.constant 128 : i32
        %mul3A_1221 = arith.muli %select_n3A_1146, %mul3A_1220 : i32
        %dma_wait3A_1222 = arith.constant 3 : i32
        %dma_wait3A_1223 = arith.constant 0 : i32
        %dma_wait3A_1224 = arith.constant 0 : i32
        %dma_wait3A_1225 = tpu.memref_slice %arg6[%select_n3A_562, %dma_wait3A_1222, %dma_wait3A_1223, %dma_wait3A_1224] : memref<2x8x128x32xf32, #tpu.memory_space<vmem>> -> memref<1x1x128x32xf32, #tpu.memory_space<vmem>>
        %dma_wait3A_1226 = tpu.memref_squeeze %dma_wait3A_1225 : memref<1x1x128x32xf32, #tpu.memory_space<vmem>> -> memref<128x32xf32, #tpu.memory_space<vmem>>
        %dma_wait3A_1227 = arith.constant 0 : i32
        %dma_wait3A_1228 = tpu.memref_slice %arg4[%add3A_1219, %mul3A_1221, %dma_wait3A_1227] : memref<200x16384x32xf32, #tpu.memory_space<hbm>> -> memref<1x128x32xf32, #tpu.memory_space<hbm>>
        %dma_wait3A_1229 = tpu.memref_squeeze %dma_wait3A_1228 : memref<1x128x32xf32, #tpu.memory_space<hbm>> -> memref<128x32xf32, #tpu.memory_space<hbm>>
        %dma_wait3A_1230 = tpu.memref_slice %arg9[%select_n3A_562] : memref<2x!tpu.dma_semaphore, #tpu.memory_space<semaphore_mem>> -> memref<1x!tpu.dma_semaphore, #tpu.memory_space<semaphore_mem>>
        %dma_wait3A_1231 = tpu.memref_squeeze %dma_wait3A_1230 : memref<1x!tpu.dma_semaphore, #tpu.memory_space<semaphore_mem>> -> memref<!tpu.dma_semaphore, #tpu.memory_space<semaphore_mem>>
        %dma_wait3A_1232 = arith.constant 0 : i32
        %dma_wait3A_1233 = tpu.memref_slice %arg4[%add3A_1219, %mul3A_1221, %dma_wait3A_1232] : memref<200x16384x32xf32, #tpu.memory_space<hbm>> -> memref<1x128x32xf32, #tpu.memory_space<hbm>>
        %dma_wait3A_1234 = tpu.memref_squeeze %dma_wait3A_1233 : memref<1x128x32xf32, #tpu.memory_space<hbm>> -> memref<128x32xf32, #tpu.memory_space<hbm>>
        %dma_wait3A_1235 = arith.constant 0 : i32
        %dma_wait3A_1236 = arith.constant 0 : i32
        %dma_wait3A_1237 = tpu.memref_slice %arg6[%select_n3A_562, %dma_wait3A_1222, %dma_wait3A_1235, %dma_wait3A_1236] : memref<2x8x128x32xf32, #tpu.memory_space<vmem>> -> memref<1x1x128x32xf32, #tpu.memory_space<vmem>>
        %dma_wait3A_1238 = tpu.memref_squeeze %dma_wait3A_1237 : memref<1x1x128x32xf32, #tpu.memory_space<vmem>> -> memref<128x32xf32, #tpu.memory_space<vmem>>
        tpu.wait_dma2 semaphore(%dma_wait3A_1231 : memref<!tpu.dma_semaphore, #tpu.memory_space<semaphore_mem>>) src(%dma_wait3A_1238 : memref<128x32xf32, #tpu.memory_space<vmem>>) dst(%dma_wait3A_1234 : memref<128x32xf32, #tpu.memory_space<hbm>>)
        %mul3A_1239 = arith.constant 8 : i32
        %mul3A_1240 = arith.muli %mul3A_1239, %select_n3A_1130 : i32
        %add3A_1241 = arith.constant 4 : i32
        %add3A_1242 = arith.addi %mul3A_1240, %add3A_1241 : i32
        %mul3A_1243 = arith.constant 128 : i32
        %mul3A_1244 = arith.muli %select_n3A_1146, %mul3A_1243 : i32
        %dma_wait3A_1245 = arith.constant 4 : i32
        %dma_wait3A_1246 = arith.constant 0 : i32
        %dma_wait3A_1247 = arith.constant 0 : i32
        %dma_wait3A_1248 = tpu.memref_slice %arg6[%select_n3A_562, %dma_wait3A_1245, %dma_wait3A_1246, %dma_wait3A_1247] : memref<2x8x128x32xf32, #tpu.memory_space<vmem>> -> memref<1x1x128x32xf32, #tpu.memory_space<vmem>>
        %dma_wait3A_1249 = tpu.memref_squeeze %dma_wait3A_1248 : memref<1x1x128x32xf32, #tpu.memory_space<vmem>> -> memref<128x32xf32, #tpu.memory_space<vmem>>
        %dma_wait3A_1250 = arith.constant 0 : i32
        %dma_wait3A_1251 = tpu.memref_slice %arg4[%add3A_1242, %mul3A_1244, %dma_wait3A_1250] : memref<200x16384x32xf32, #tpu.memory_space<hbm>> -> memref<1x128x32xf32, #tpu.memory_space<hbm>>
        %dma_wait3A_1252 = tpu.memref_squeeze %dma_wait3A_1251 : memref<1x128x32xf32, #tpu.memory_space<hbm>> -> memref<128x32xf32, #tpu.memory_space<hbm>>
        %dma_wait3A_1253 = tpu.memref_slice %arg9[%select_n3A_562] : memref<2x!tpu.dma_semaphore, #tpu.memory_space<semaphore_mem>> -> memref<1x!tpu.dma_semaphore, #tpu.memory_space<semaphore_mem>>
        %dma_wait3A_1254 = tpu.memref_squeeze %dma_wait3A_1253 : memref<1x!tpu.dma_semaphore, #tpu.memory_space<semaphore_mem>> -> memref<!tpu.dma_semaphore, #tpu.memory_space<semaphore_mem>>
        %dma_wait3A_1255 = arith.constant 0 : i32
        %dma_wait3A_1256 = tpu.memref_slice %arg4[%add3A_1242, %mul3A_1244, %dma_wait3A_1255] : memref<200x16384x32xf32, #tpu.memory_space<hbm>> -> memref<1x128x32xf32, #tpu.memory_space<hbm>>
        %dma_wait3A_1257 = tpu.memref_squeeze %dma_wait3A_1256 : memref<1x128x32xf32, #tpu.memory_space<hbm>> -> memref<128x32xf32, #tpu.memory_space<hbm>>
        %dma_wait3A_1258 = arith.constant 0 : i32
        %dma_wait3A_1259 = arith.constant 0 : i32
        %dma_wait3A_1260 = tpu.memref_slice %arg6[%select_n3A_562, %dma_wait3A_1245, %dma_wait3A_1258, %dma_wait3A_1259] : memref<2x8x128x32xf32, #tpu.memory_space<vmem>> -> memref<1x1x128x32xf32, #tpu.memory_space<vmem>>
        %dma_wait3A_1261 = tpu.memref_squeeze %dma_wait3A_1260 : memref<1x1x128x32xf32, #tpu.memory_space<vmem>> -> memref<128x32xf32, #tpu.memory_space<vmem>>
        tpu.wait_dma2 semaphore(%dma_wait3A_1254 : memref<!tpu.dma_semaphore, #tpu.memory_space<semaphore_mem>>) src(%dma_wait3A_1261 : memref<128x32xf32, #tpu.memory_space<vmem>>) dst(%dma_wait3A_1257 : memref<128x32xf32, #tpu.memory_space<hbm>>)
        %mul3A_1262 = arith.constant 8 : i32
        %mul3A_1263 = arith.muli %mul3A_1262, %select_n3A_1130 : i32
        %add3A_1264 = arith.constant 5 : i32
        %add3A_1265 = arith.addi %mul3A_1263, %add3A_1264 : i32
        %mul3A_1266 = arith.constant 128 : i32
        %mul3A_1267 = arith.muli %select_n3A_1146, %mul3A_1266 : i32
        %dma_wait3A_1268 = arith.constant 5 : i32
        %dma_wait3A_1269 = arith.constant 0 : i32
        %dma_wait3A_1270 = arith.constant 0 : i32
        %dma_wait3A_1271 = tpu.memref_slice %arg6[%select_n3A_562, %dma_wait3A_1268, %dma_wait3A_1269, %dma_wait3A_1270] : memref<2x8x128x32xf32, #tpu.memory_space<vmem>> -> memref<1x1x128x32xf32, #tpu.memory_space<vmem>>
        %dma_wait3A_1272 = tpu.memref_squeeze %dma_wait3A_1271 : memref<1x1x128x32xf32, #tpu.memory_space<vmem>> -> memref<128x32xf32, #tpu.memory_space<vmem>>
        %dma_wait3A_1273 = arith.constant 0 : i32
        %dma_wait3A_1274 = tpu.memref_slice %arg4[%add3A_1265, %mul3A_1267, %dma_wait3A_1273] : memref<200x16384x32xf32, #tpu.memory_space<hbm>> -> memref<1x128x32xf32, #tpu.memory_space<hbm>>
        %dma_wait3A_1275 = tpu.memref_squeeze %dma_wait3A_1274 : memref<1x128x32xf32, #tpu.memory_space<hbm>> -> memref<128x32xf32, #tpu.memory_space<hbm>>
        %dma_wait3A_1276 = tpu.memref_slice %arg9[%select_n3A_562] : memref<2x!tpu.dma_semaphore, #tpu.memory_space<semaphore_mem>> -> memref<1x!tpu.dma_semaphore, #tpu.memory_space<semaphore_mem>>
        %dma_wait3A_1277 = tpu.memref_squeeze %dma_wait3A_1276 : memref<1x!tpu.dma_semaphore, #tpu.memory_space<semaphore_mem>> -> memref<!tpu.dma_semaphore, #tpu.memory_space<semaphore_mem>>
        %dma_wait3A_1278 = arith.constant 0 : i32
        %dma_wait3A_1279 = tpu.memref_slice %arg4[%add3A_1265, %mul3A_1267, %dma_wait3A_1278] : memref<200x16384x32xf32, #tpu.memory_space<hbm>> -> memref<1x128x32xf32, #tpu.memory_space<hbm>>
        %dma_wait3A_1280 = tpu.memref_squeeze %dma_wait3A_1279 : memref<1x128x32xf32, #tpu.memory_space<hbm>> -> memref<128x32xf32, #tpu.memory_space<hbm>>
        %dma_wait3A_1281 = arith.constant 0 : i32
        %dma_wait3A_1282 = arith.constant 0 : i32
        %dma_wait3A_1283 = tpu.memref_slice %arg6[%select_n3A_562, %dma_wait3A_1268, %dma_wait3A_1281, %dma_wait3A_1282] : memref<2x8x128x32xf32, #tpu.memory_space<vmem>> -> memref<1x1x128x32xf32, #tpu.memory_space<vmem>>
        %dma_wait3A_1284 = tpu.memref_squeeze %dma_wait3A_1283 : memref<1x1x128x32xf32, #tpu.memory_space<vmem>> -> memref<128x32xf32, #tpu.memory_space<vmem>>
        tpu.wait_dma2 semaphore(%dma_wait3A_1277 : memref<!tpu.dma_semaphore, #tpu.memory_space<semaphore_mem>>) src(%dma_wait3A_1284 : memref<128x32xf32, #tpu.memory_space<vmem>>) dst(%dma_wait3A_1280 : memref<128x32xf32, #tpu.memory_space<hbm>>)
        %mul3A_1285 = arith.constant 8 : i32
        %mul3A_1286 = arith.muli %mul3A_1285, %select_n3A_1130 : i32
        %add3A_1287 = arith.constant 6 : i32
        %add3A_1288 = arith.addi %mul3A_1286, %add3A_1287 : i32
        %mul3A_1289 = arith.constant 128 : i32
        %mul3A_1290 = arith.muli %select_n3A_1146, %mul3A_1289 : i32
        %dma_wait3A_1291 = arith.constant 6 : i32
        %dma_wait3A_1292 = arith.constant 0 : i32
        %dma_wait3A_1293 = arith.constant 0 : i32
        %dma_wait3A_1294 = tpu.memref_slice %arg6[%select_n3A_562, %dma_wait3A_1291, %dma_wait3A_1292, %dma_wait3A_1293] : memref<2x8x128x32xf32, #tpu.memory_space<vmem>> -> memref<1x1x128x32xf32, #tpu.memory_space<vmem>>
        %dma_wait3A_1295 = tpu.memref_squeeze %dma_wait3A_1294 : memref<1x1x128x32xf32, #tpu.memory_space<vmem>> -> memref<128x32xf32, #tpu.memory_space<vmem>>
        %dma_wait3A_1296 = arith.constant 0 : i32
        %dma_wait3A_1297 = tpu.memref_slice %arg4[%add3A_1288, %mul3A_1290, %dma_wait3A_1296] : memref<200x16384x32xf32, #tpu.memory_space<hbm>> -> memref<1x128x32xf32, #tpu.memory_space<hbm>>
        %dma_wait3A_1298 = tpu.memref_squeeze %dma_wait3A_1297 : memref<1x128x32xf32, #tpu.memory_space<hbm>> -> memref<128x32xf32, #tpu.memory_space<hbm>>
        %dma_wait3A_1299 = tpu.memref_slice %arg9[%select_n3A_562] : memref<2x!tpu.dma_semaphore, #tpu.memory_space<semaphore_mem>> -> memref<1x!tpu.dma_semaphore, #tpu.memory_space<semaphore_mem>>
        %dma_wait3A_1300 = tpu.memref_squeeze %dma_wait3A_1299 : memref<1x!tpu.dma_semaphore, #tpu.memory_space<semaphore_mem>> -> memref<!tpu.dma_semaphore, #tpu.memory_space<semaphore_mem>>
        %dma_wait3A_1301 = arith.constant 0 : i32
        %dma_wait3A_1302 = tpu.memref_slice %arg4[%add3A_1288, %mul3A_1290, %dma_wait3A_1301] : memref<200x16384x32xf32, #tpu.memory_space<hbm>> -> memref<1x128x32xf32, #tpu.memory_space<hbm>>
        %dma_wait3A_1303 = tpu.memref_squeeze %dma_wait3A_1302 : memref<1x128x32xf32, #tpu.memory_space<hbm>> -> memref<128x32xf32, #tpu.memory_space<hbm>>
        %dma_wait3A_1304 = arith.constant 0 : i32
        %dma_wait3A_1305 = arith.constant 0 : i32
        %dma_wait3A_1306 = tpu.memref_slice %arg6[%select_n3A_562, %dma_wait3A_1291, %dma_wait3A_1304, %dma_wait3A_1305] : memref<2x8x128x32xf32, #tpu.memory_space<vmem>> -> memref<1x1x128x32xf32, #tpu.memory_space<vmem>>
        %dma_wait3A_1307 = tpu.memref_squeeze %dma_wait3A_1306 : memref<1x1x128x32xf32, #tpu.memory_space<vmem>> -> memref<128x32xf32, #tpu.memory_space<vmem>>
        tpu.wait_dma2 semaphore(%dma_wait3A_1300 : memref<!tpu.dma_semaphore, #tpu.memory_space<semaphore_mem>>) src(%dma_wait3A_1307 : memref<128x32xf32, #tpu.memory_space<vmem>>) dst(%dma_wait3A_1303 : memref<128x32xf32, #tpu.memory_space<hbm>>)
        %mul3A_1308 = arith.constant 8 : i32
        %mul3A_1309 = arith.muli %mul3A_1308, %select_n3A_1130 : i32
        %add3A_1310 = arith.constant 7 : i32
        %add3A_1311 = arith.addi %mul3A_1309, %add3A_1310 : i32
        %mul3A_1312 = arith.constant 128 : i32
        %mul3A_1313 = arith.muli %select_n3A_1146, %mul3A_1312 : i32
        %dma_wait3A_1314 = arith.constant 7 : i32
        %dma_wait3A_1315 = arith.constant 0 : i32
        %dma_wait3A_1316 = arith.constant 0 : i32
        %dma_wait3A_1317 = tpu.memref_slice %arg6[%select_n3A_562, %dma_wait3A_1314, %dma_wait3A_1315, %dma_wait3A_1316] : memref<2x8x128x32xf32, #tpu.memory_space<vmem>> -> memref<1x1x128x32xf32, #tpu.memory_space<vmem>>
        %dma_wait3A_1318 = tpu.memref_squeeze %dma_wait3A_1317 : memref<1x1x128x32xf32, #tpu.memory_space<vmem>> -> memref<128x32xf32, #tpu.memory_space<vmem>>
        %dma_wait3A_1319 = arith.constant 0 : i32
        %dma_wait3A_1320 = tpu.memref_slice %arg4[%add3A_1311, %mul3A_1313, %dma_wait3A_1319] : memref<200x16384x32xf32, #tpu.memory_space<hbm>> -> memref<1x128x32xf32, #tpu.memory_space<hbm>>
        %dma_wait3A_1321 = tpu.memref_squeeze %dma_wait3A_1320 : memref<1x128x32xf32, #tpu.memory_space<hbm>> -> memref<128x32xf32, #tpu.memory_space<hbm>>
        %dma_wait3A_1322 = tpu.memref_slice %arg9[%select_n3A_562] : memref<2x!tpu.dma_semaphore, #tpu.memory_space<semaphore_mem>> -> memref<1x!tpu.dma_semaphore, #tpu.memory_space<semaphore_mem>>
        %dma_wait3A_1323 = tpu.memref_squeeze %dma_wait3A_1322 : memref<1x!tpu.dma_semaphore, #tpu.memory_space<semaphore_mem>> -> memref<!tpu.dma_semaphore, #tpu.memory_space<semaphore_mem>>
        %dma_wait3A_1324 = arith.constant 0 : i32
        %dma_wait3A_1325 = tpu.memref_slice %arg4[%add3A_1311, %mul3A_1313, %dma_wait3A_1324] : memref<200x16384x32xf32, #tpu.memory_space<hbm>> -> memref<1x128x32xf32, #tpu.memory_space<hbm>>
        %dma_wait3A_1326 = tpu.memref_squeeze %dma_wait3A_1325 : memref<1x128x32xf32, #tpu.memory_space<hbm>> -> memref<128x32xf32, #tpu.memory_space<hbm>>
        %dma_wait3A_1327 = arith.constant 0 : i32
        %dma_wait3A_1328 = arith.constant 0 : i32
        %dma_wait3A_1329 = tpu.memref_slice %arg6[%select_n3A_562, %dma_wait3A_1314, %dma_wait3A_1327, %dma_wait3A_1328] : memref<2x8x128x32xf32, #tpu.memory_space<vmem>> -> memref<1x1x128x32xf32, #tpu.memory_space<vmem>>
        %dma_wait3A_1330 = tpu.memref_squeeze %dma_wait3A_1329 : memref<1x1x128x32xf32, #tpu.memory_space<vmem>> -> memref<128x32xf32, #tpu.memory_space<vmem>>
        tpu.wait_dma2 semaphore(%dma_wait3A_1323 : memref<!tpu.dma_semaphore, #tpu.memory_space<semaphore_mem>>) src(%dma_wait3A_1330 : memref<128x32xf32, #tpu.memory_space<vmem>>) dst(%dma_wait3A_1326 : memref<128x32xf32, #tpu.memory_space<hbm>>)
      } else {
      }
      %dma_start3A_651 = arith.constant 0 : i32
      %dma_start3A_652 = arith.constant 0 : i32
      %dma_start3A_653 = arith.constant 0 : i32
      %dma_start3A_654 = arith.constant 0 : i32
      %dma_start3A_655 = tpu.memref_slice %arg6[%select_n3A_562, %dma_start3A_652, %dma_start3A_653, %dma_start3A_654] : memref<2x8x128x32xf32, #tpu.memory_space<vmem>> -> memref<1x1x128x32xf32, #tpu.memory_space<vmem>>
      %dma_start3A_656 = tpu.memref_squeeze %dma_start3A_655 : memref<1x1x128x32xf32, #tpu.memory_space<vmem>> -> memref<128x32xf32, #tpu.memory_space<vmem>>
      %dma_start3A_657 = arith.constant 0 : i32
      %dma_start3A_658 = tpu.memref_slice %arg5[%select_n3A_562, %dma_start3A_651, %dma_start3A_657] : memref<2x8x128xi32, #tpu.memory_space<vmem>> -> memref<1x1x128xi32, #tpu.memory_space<vmem>>
      %dma_start3A_659 = tpu.memref_squeeze %dma_start3A_658 : memref<1x1x128xi32, #tpu.memory_space<vmem>> -> memref<128xi32, #tpu.memory_space<vmem>>
      %dma_start3A_660 = arith.constant 0 : i32
      %dma_start3A_661 = arith.constant 0 : i32
      %dma_start3A_662 = tpu.memref_slice %arg3[%dma_start3A_660, %dma_start3A_661] : memref<1000000x32xf32, #tpu.memory_space<hbm>> -> memref<1000000x32xf32, #tpu.memory_space<hbm>>
      %dma_start3A_663 = tpu.memref_slice %arg8[%select_n3A_562] : memref<2x!tpu.dma_semaphore, #tpu.memory_space<semaphore_mem>> -> memref<1x!tpu.dma_semaphore, #tpu.memory_space<semaphore_mem>>
      %dma_start3A_664 = tpu.memref_squeeze %dma_start3A_663 : memref<1x!tpu.dma_semaphore, #tpu.memory_space<semaphore_mem>> -> memref<!tpu.dma_semaphore, #tpu.memory_space<semaphore_mem>>
      tpu.enqueue_indirect_dma source(%dma_start3A_662 : memref<1000000x32xf32, #tpu.memory_space<hbm>>) target(%dma_start3A_656 : memref<128x32xf32, #tpu.memory_space<vmem>>) offsets(%dma_start3A_659 : memref<128xi32, #tpu.memory_space<vmem>>) semaphore(%dma_start3A_664 : memref<!tpu.dma_semaphore, #tpu.memory_space<semaphore_mem>>)
      %dma_start3A_665 = arith.constant 1 : i32
      %dma_start3A_666 = arith.constant 1 : i32
      %dma_start3A_667 = arith.constant 0 : i32
      %dma_start3A_668 = arith.constant 0 : i32
      %dma_start3A_669 = tpu.memref_slice %arg6[%select_n3A_562, %dma_start3A_666, %dma_start3A_667, %dma_start3A_668] : memref<2x8x128x32xf32, #tpu.memory_space<vmem>> -> memref<1x1x128x32xf32, #tpu.memory_space<vmem>>
      %dma_start3A_670 = tpu.memref_squeeze %dma_start3A_669 : memref<1x1x128x32xf32, #tpu.memory_space<vmem>> -> memref<128x32xf32, #tpu.memory_space<vmem>>
      %dma_start3A_671 = arith.constant 0 : i32
      %dma_start3A_672 = tpu.memref_slice %arg5[%select_n3A_562, %dma_start3A_665, %dma_start3A_671] : memref<2x8x128xi32, #tpu.memory_space<vmem>> -> memref<1x1x128xi32, #tpu.memory_space<vmem>>
      %dma_start3A_673 = tpu.memref_squeeze %dma_start3A_672 : memref<1x1x128xi32, #tpu.memory_space<vmem>> -> memref<128xi32, #tpu.memory_space<vmem>>
      %dma_start3A_674 = arith.constant 0 : i32
      %dma_start3A_675 = arith.constant 0 : i32
      %dma_start3A_676 = tpu.memref_slice %arg3[%dma_start3A_674, %dma_start3A_675] : memref<1000000x32xf32, #tpu.memory_space<hbm>> -> memref<1000000x32xf32, #tpu.memory_space<hbm>>
      %dma_start3A_677 = tpu.memref_slice %arg8[%select_n3A_562] : memref<2x!tpu.dma_semaphore, #tpu.memory_space<semaphore_mem>> -> memref<1x!tpu.dma_semaphore, #tpu.memory_space<semaphore_mem>>
      %dma_start3A_678 = tpu.memref_squeeze %dma_start3A_677 : memref<1x!tpu.dma_semaphore, #tpu.memory_space<semaphore_mem>> -> memref<!tpu.dma_semaphore, #tpu.memory_space<semaphore_mem>>
      tpu.enqueue_indirect_dma source(%dma_start3A_676 : memref<1000000x32xf32, #tpu.memory_space<hbm>>) target(%dma_start3A_670 : memref<128x32xf32, #tpu.memory_space<vmem>>) offsets(%dma_start3A_673 : memref<128xi32, #tpu.memory_space<vmem>>) semaphore(%dma_start3A_678 : memref<!tpu.dma_semaphore, #tpu.memory_space<semaphore_mem>>)
      %dma_start3A_679 = arith.constant 2 : i32
      %dma_start3A_680 = arith.constant 2 : i32
      %dma_start3A_681 = arith.constant 0 : i32
      %dma_start3A_682 = arith.constant 0 : i32
      %dma_start3A_683 = tpu.memref_slice %arg6[%select_n3A_562, %dma_start3A_680, %dma_start3A_681, %dma_start3A_682] : memref<2x8x128x32xf32, #tpu.memory_space<vmem>> -> memref<1x1x128x32xf32, #tpu.memory_space<vmem>>
      %dma_start3A_684 = tpu.memref_squeeze %dma_start3A_683 : memref<1x1x128x32xf32, #tpu.memory_space<vmem>> -> memref<128x32xf32, #tpu.memory_space<vmem>>
      %dma_start3A_685 = arith.constant 0 : i32
      %dma_start3A_686 = tpu.memref_slice %arg5[%select_n3A_562, %dma_start3A_679, %dma_start3A_685] : memref<2x8x128xi32, #tpu.memory_space<vmem>> -> memref<1x1x128xi32, #tpu.memory_space<vmem>>
      %dma_start3A_687 = tpu.memref_squeeze %dma_start3A_686 : memref<1x1x128xi32, #tpu.memory_space<vmem>> -> memref<128xi32, #tpu.memory_space<vmem>>
      %dma_start3A_688 = arith.constant 0 : i32
      %dma_start3A_689 = arith.constant 0 : i32
      %dma_start3A_690 = tpu.memref_slice %arg3[%dma_start3A_688, %dma_start3A_689] : memref<1000000x32xf32, #tpu.memory_space<hbm>> -> memref<1000000x32xf32, #tpu.memory_space<hbm>>
      %dma_start3A_691 = tpu.memref_slice %arg8[%select_n3A_562] : memref<2x!tpu.dma_semaphore, #tpu.memory_space<semaphore_mem>> -> memref<1x!tpu.dma_semaphore, #tpu.memory_space<semaphore_mem>>
      %dma_start3A_692 = tpu.memref_squeeze %dma_start3A_691 : memref<1x!tpu.dma_semaphore, #tpu.memory_space<semaphore_mem>> -> memref<!tpu.dma_semaphore, #tpu.memory_space<semaphore_mem>>
      tpu.enqueue_indirect_dma source(%dma_start3A_690 : memref<1000000x32xf32, #tpu.memory_space<hbm>>) target(%dma_start3A_684 : memref<128x32xf32, #tpu.memory_space<vmem>>) offsets(%dma_start3A_687 : memref<128xi32, #tpu.memory_space<vmem>>) semaphore(%dma_start3A_692 : memref<!tpu.dma_semaphore, #tpu.memory_space<semaphore_mem>>)
      %dma_start3A_693 = arith.constant 3 : i32
      %dma_start3A_694 = arith.constant 3 : i32
      %dma_start3A_695 = arith.constant 0 : i32
      %dma_start3A_696 = arith.constant 0 : i32
      %dma_start3A_697 = tpu.memref_slice %arg6[%select_n3A_562, %dma_start3A_694, %dma_start3A_695, %dma_start3A_696] : memref<2x8x128x32xf32, #tpu.memory_space<vmem>> -> memref<1x1x128x32xf32, #tpu.memory_space<vmem>>
      %dma_start3A_698 = tpu.memref_squeeze %dma_start3A_697 : memref<1x1x128x32xf32, #tpu.memory_space<vmem>> -> memref<128x32xf32, #tpu.memory_space<vmem>>
      %dma_start3A_699 = arith.constant 0 : i32
      %dma_start3A_700 = tpu.memref_slice %arg5[%select_n3A_562, %dma_start3A_693, %dma_start3A_699] : memref<2x8x128xi32, #tpu.memory_space<vmem>> -> memref<1x1x128xi32, #tpu.memory_space<vmem>>
      %dma_start3A_701 = tpu.memref_squeeze %dma_start3A_700 : memref<1x1x128xi32, #tpu.memory_space<vmem>> -> memref<128xi32, #tpu.memory_space<vmem>>
      %dma_start3A_702 = arith.constant 0 : i32
      %dma_start3A_703 = arith.constant 0 : i32
      %dma_start3A_704 = tpu.memref_slice %arg3[%dma_start3A_702, %dma_start3A_703] : memref<1000000x32xf32, #tpu.memory_space<hbm>> -> memref<1000000x32xf32, #tpu.memory_space<hbm>>
      %dma_start3A_705 = tpu.memref_slice %arg8[%select_n3A_562] : memref<2x!tpu.dma_semaphore, #tpu.memory_space<semaphore_mem>> -> memref<1x!tpu.dma_semaphore, #tpu.memory_space<semaphore_mem>>
      %dma_start3A_706 = tpu.memref_squeeze %dma_start3A_705 : memref<1x!tpu.dma_semaphore, #tpu.memory_space<semaphore_mem>> -> memref<!tpu.dma_semaphore, #tpu.memory_space<semaphore_mem>>
      tpu.enqueue_indirect_dma source(%dma_start3A_704 : memref<1000000x32xf32, #tpu.memory_space<hbm>>) target(%dma_start3A_698 : memref<128x32xf32, #tpu.memory_space<vmem>>) offsets(%dma_start3A_701 : memref<128xi32, #tpu.memory_space<vmem>>) semaphore(%dma_start3A_706 : memref<!tpu.dma_semaphore, #tpu.memory_space<semaphore_mem>>)
      %dma_start3A_707 = arith.constant 4 : i32
      %dma_start3A_708 = arith.constant 4 : i32
      %dma_start3A_709 = arith.constant 0 : i32
      %dma_start3A_710 = arith.constant 0 : i32
      %dma_start3A_711 = tpu.memref_slice %arg6[%select_n3A_562, %dma_start3A_708, %dma_start3A_709, %dma_start3A_710] : memref<2x8x128x32xf32, #tpu.memory_space<vmem>> -> memref<1x1x128x32xf32, #tpu.memory_space<vmem>>
      %dma_start3A_712 = tpu.memref_squeeze %dma_start3A_711 : memref<1x1x128x32xf32, #tpu.memory_space<vmem>> -> memref<128x32xf32, #tpu.memory_space<vmem>>
      %dma_start3A_713 = arith.constant 0 : i32
      %dma_start3A_714 = tpu.memref_slice %arg5[%select_n3A_562, %dma_start3A_707, %dma_start3A_713] : memref<2x8x128xi32, #tpu.memory_space<vmem>> -> memref<1x1x128xi32, #tpu.memory_space<vmem>>
      %dma_start3A_715 = tpu.memref_squeeze %dma_start3A_714 : memref<1x1x128xi32, #tpu.memory_space<vmem>> -> memref<128xi32, #tpu.memory_space<vmem>>
      %dma_start3A_716 = arith.constant 0 : i32
      %dma_start3A_717 = arith.constant 0 : i32
      %dma_start3A_718 = tpu.memref_slice %arg3[%dma_start3A_716, %dma_start3A_717] : memref<1000000x32xf32, #tpu.memory_space<hbm>> -> memref<1000000x32xf32, #tpu.memory_space<hbm>>
      %dma_start3A_719 = tpu.memref_slice %arg8[%select_n3A_562] : memref<2x!tpu.dma_semaphore, #tpu.memory_space<semaphore_mem>> -> memref<1x!tpu.dma_semaphore, #tpu.memory_space<semaphore_mem>>
      %dma_start3A_720 = tpu.memref_squeeze %dma_start3A_719 : memref<1x!tpu.dma_semaphore, #tpu.memory_space<semaphore_mem>> -> memref<!tpu.dma_semaphore, #tpu.memory_space<semaphore_mem>>
      tpu.enqueue_indirect_dma source(%dma_start3A_718 : memref<1000000x32xf32, #tpu.memory_space<hbm>>) target(%dma_start3A_712 : memref<128x32xf32, #tpu.memory_space<vmem>>) offsets(%dma_start3A_715 : memref<128xi32, #tpu.memory_space<vmem>>) semaphore(%dma_start3A_720 : memref<!tpu.dma_semaphore, #tpu.memory_space<semaphore_mem>>)
      %dma_start3A_721 = arith.constant 5 : i32
      %dma_start3A_722 = arith.constant 5 : i32
      %dma_start3A_723 = arith.constant 0 : i32
      %dma_start3A_724 = arith.constant 0 : i32
      %dma_start3A_725 = tpu.memref_slice %arg6[%select_n3A_562, %dma_start3A_722, %dma_start3A_723, %dma_start3A_724] : memref<2x8x128x32xf32, #tpu.memory_space<vmem>> -> memref<1x1x128x32xf32, #tpu.memory_space<vmem>>
      %dma_start3A_726 = tpu.memref_squeeze %dma_start3A_725 : memref<1x1x128x32xf32, #tpu.memory_space<vmem>> -> memref<128x32xf32, #tpu.memory_space<vmem>>
      %dma_start3A_727 = arith.constant 0 : i32
      %dma_start3A_728 = tpu.memref_slice %arg5[%select_n3A_562, %dma_start3A_721, %dma_start3A_727] : memref<2x8x128xi32, #tpu.memory_space<vmem>> -> memref<1x1x128xi32, #tpu.memory_space<vmem>>
      %dma_start3A_729 = tpu.memref_squeeze %dma_start3A_728 : memref<1x1x128xi32, #tpu.memory_space<vmem>> -> memref<128xi32, #tpu.memory_space<vmem>>
      %dma_start3A_730 = arith.constant 0 : i32
      %dma_start3A_731 = arith.constant 0 : i32
      %dma_start3A_732 = tpu.memref_slice %arg3[%dma_start3A_730, %dma_start3A_731] : memref<1000000x32xf32, #tpu.memory_space<hbm>> -> memref<1000000x32xf32, #tpu.memory_space<hbm>>
      %dma_start3A_733 = tpu.memref_slice %arg8[%select_n3A_562] : memref<2x!tpu.dma_semaphore, #tpu.memory_space<semaphore_mem>> -> memref<1x!tpu.dma_semaphore, #tpu.memory_space<semaphore_mem>>
      %dma_start3A_734 = tpu.memref_squeeze %dma_start3A_733 : memref<1x!tpu.dma_semaphore, #tpu.memory_space<semaphore_mem>> -> memref<!tpu.dma_semaphore, #tpu.memory_space<semaphore_mem>>
      tpu.enqueue_indirect_dma source(%dma_start3A_732 : memref<1000000x32xf32, #tpu.memory_space<hbm>>) target(%dma_start3A_726 : memref<128x32xf32, #tpu.memory_space<vmem>>) offsets(%dma_start3A_729 : memref<128xi32, #tpu.memory_space<vmem>>) semaphore(%dma_start3A_734 : memref<!tpu.dma_semaphore, #tpu.memory_space<semaphore_mem>>)
      %dma_start3A_735 = arith.constant 6 : i32
      %dma_start3A_736 = arith.constant 6 : i32
      %dma_start3A_737 = arith.constant 0 : i32
      %dma_start3A_738 = arith.constant 0 : i32
      %dma_start3A_739 = tpu.memref_slice %arg6[%select_n3A_562, %dma_start3A_736, %dma_start3A_737, %dma_start3A_738] : memref<2x8x128x32xf32, #tpu.memory_space<vmem>> -> memref<1x1x128x32xf32, #tpu.memory_space<vmem>>
      %dma_start3A_740 = tpu.memref_squeeze %dma_start3A_739 : memref<1x1x128x32xf32, #tpu.memory_space<vmem>> -> memref<128x32xf32, #tpu.memory_space<vmem>>
      %dma_start3A_741 = arith.constant 0 : i32
      %dma_start3A_742 = tpu.memref_slice %arg5[%select_n3A_562, %dma_start3A_735, %dma_start3A_741] : memref<2x8x128xi32, #tpu.memory_space<vmem>> -> memref<1x1x128xi32, #tpu.memory_space<vmem>>
      %dma_start3A_743 = tpu.memref_squeeze %dma_start3A_742 : memref<1x1x128xi32, #tpu.memory_space<vmem>> -> memref<128xi32, #tpu.memory_space<vmem>>
      %dma_start3A_744 = arith.constant 0 : i32
      %dma_start3A_745 = arith.constant 0 : i32
      %dma_start3A_746 = tpu.memref_slice %arg3[%dma_start3A_744, %dma_start3A_745] : memref<1000000x32xf32, #tpu.memory_space<hbm>> -> memref<1000000x32xf32, #tpu.memory_space<hbm>>
      %dma_start3A_747 = tpu.memref_slice %arg8[%select_n3A_562] : memref<2x!tpu.dma_semaphore, #tpu.memory_space<semaphore_mem>> -> memref<1x!tpu.dma_semaphore, #tpu.memory_space<semaphore_mem>>
      %dma_start3A_748 = tpu.memref_squeeze %dma_start3A_747 : memref<1x!tpu.dma_semaphore, #tpu.memory_space<semaphore_mem>> -> memref<!tpu.dma_semaphore, #tpu.memory_space<semaphore_mem>>
      tpu.enqueue_indirect_dma source(%dma_start3A_746 : memref<1000000x32xf32, #tpu.memory_space<hbm>>) target(%dma_start3A_740 : memref<128x32xf32, #tpu.memory_space<vmem>>) offsets(%dma_start3A_743 : memref<128xi32, #tpu.memory_space<vmem>>) semaphore(%dma_start3A_748 : memref<!tpu.dma_semaphore, #tpu.memory_space<semaphore_mem>>)
      %dma_start3A_749 = arith.constant 7 : i32
      %dma_start3A_750 = arith.constant 7 : i32
      %dma_start3A_751 = arith.constant 0 : i32
      %dma_start3A_752 = arith.constant 0 : i32
      %dma_start3A_753 = tpu.memref_slice %arg6[%select_n3A_562, %dma_start3A_750, %dma_start3A_751, %dma_start3A_752] : memref<2x8x128x32xf32, #tpu.memory_space<vmem>> -> memref<1x1x128x32xf32, #tpu.memory_space<vmem>>
      %dma_start3A_754 = tpu.memref_squeeze %dma_start3A_753 : memref<1x1x128x32xf32, #tpu.memory_space<vmem>> -> memref<128x32xf32, #tpu.memory_space<vmem>>
      %dma_start3A_755 = arith.constant 0 : i32
      %dma_start3A_756 = tpu.memref_slice %arg5[%select_n3A_562, %dma_start3A_749, %dma_start3A_755] : memref<2x8x128xi32, #tpu.memory_space<vmem>> -> memref<1x1x128xi32, #tpu.memory_space<vmem>>
      %dma_start3A_757 = tpu.memref_squeeze %dma_start3A_756 : memref<1x1x128xi32, #tpu.memory_space<vmem>> -> memref<128xi32, #tpu.memory_space<vmem>>
      %dma_start3A_758 = arith.constant 0 : i32
      %dma_start3A_759 = arith.constant 0 : i32
      %dma_start3A_760 = tpu.memref_slice %arg3[%dma_start3A_758, %dma_start3A_759] : memref<1000000x32xf32, #tpu.memory_space<hbm>> -> memref<1000000x32xf32, #tpu.memory_space<hbm>>
      %dma_start3A_761 = tpu.memref_slice %arg8[%select_n3A_562] : memref<2x!tpu.dma_semaphore, #tpu.memory_space<semaphore_mem>> -> memref<1x!tpu.dma_semaphore, #tpu.memory_space<semaphore_mem>>
      %dma_start3A_762 = tpu.memref_squeeze %dma_start3A_761 : memref<1x!tpu.dma_semaphore, #tpu.memory_space<semaphore_mem>> -> memref<!tpu.dma_semaphore, #tpu.memory_space<semaphore_mem>>
      tpu.enqueue_indirect_dma source(%dma_start3A_760 : memref<1000000x32xf32, #tpu.memory_space<hbm>>) target(%dma_start3A_754 : memref<128x32xf32, #tpu.memory_space<vmem>>) offsets(%dma_start3A_757 : memref<128xi32, #tpu.memory_space<vmem>>) semaphore(%dma_start3A_762 : memref<!tpu.dma_semaphore, #tpu.memory_space<semaphore_mem>>)
      %mul3A_763 = arith.constant 100 : i32
      %mul3A_764 = arith.muli %add3A, %mul3A_763 : i32
      %add3A_765 = arith.addi %mul3A_764, %scan3A_546 : i32
      %jit3A_766 = arith.constant 128 : i32
      %div3A_767 = arith.divsi %add3A_765, %jit3A_766 : i32
      %sign3A_768 = arith.constant 0 : i32
      %sign3A_769 = arith.cmpi sgt, %add3A_765, %sign3A_768 : i32
      %sign3A_770 = arith.extui %sign3A_769 : i1 to i32
      %sign3A_771 = arith.constant 0 : i32
      %sign3A_772 = arith.cmpi slt, %add3A_765, %sign3A_771 : i32
      %sign3A_773 = arith.extui %sign3A_772 : i1 to i32
      %sign3A_774 = arith.subi %sign3A_770, %sign3A_773 : i32
      %sign3A_775 = arith.constant 0 : i32
      %sign3A_776 = arith.cmpi sgt, %jit3A_766, %sign3A_775 : i32
      %sign3A_777 = arith.extui %sign3A_776 : i1 to i32
      %sign3A_778 = arith.constant 0 : i32
      %sign3A_779 = arith.cmpi slt, %jit3A_766, %sign3A_778 : i32
      %sign3A_780 = arith.extui %sign3A_779 : i1 to i32
      %sign3A_781 = arith.subi %sign3A_777, %sign3A_780 : i32
      %ne3A_782 = arith.cmpi ne, %sign3A_774, %sign3A_781 : i32
      %rem3A_783 = arith.remsi %add3A_765, %jit3A_766 : i32
      %ne3A_784 = arith.constant 0 : i32
      %ne3A_785 = arith.cmpi ne, %rem3A_783, %ne3A_784 : i32
      %and3A_786 = arith.andi %ne3A_782, %ne3A_785 : i1
      %sub3A_787 = arith.constant 1 : i32
      %sub3A_788 = arith.subi %div3A_767, %sub3A_787 : i32
      %select_n3A_789 = arith.select %and3A_786, %sub3A_788, %div3A_767 : i32
      %jit3A_790 = arith.constant 128 : i32
      %eq3A_791 = arith.constant 0 : i32
      %eq3A_792 = arith.cmpi eq, %jit3A_790, %eq3A_791 : i32
      %jit3A_793 = arith.constant 1 : i32
      %select_n3A_794 = arith.select %eq3A_792, %jit3A_793, %jit3A_790 : i32
      %rem3A_795 = arith.remsi %add3A_765, %select_n3A_794 : i32
      %ne3A_796 = arith.constant 0 : i32
      %ne3A_797 = arith.cmpi ne, %rem3A_795, %ne3A_796 : i32
      %lt3A_798 = arith.constant 0 : i32
      %lt3A_799 = arith.cmpi slt, %rem3A_795, %lt3A_798 : i32
      %lt3A_800 = arith.constant 0 : i32
      %lt3A_801 = arith.cmpi slt, %select_n3A_794, %lt3A_800 : i32
      %ne3A_802 = arith.xori %lt3A_799, %lt3A_801 : i1
      %and3A_803 = arith.andi %ne3A_802, %ne3A_797 : i1
      %add3A_804 = arith.addi %rem3A_795, %select_n3A_794 : i32
      %select_n3A_805 = arith.select %and3A_803, %add3A_804, %rem3A_795 : i32
      %dma_wait3A_806 = arith.constant 0 : i32
      %dma_wait3A_807 = arith.constant 0 : i32
      %dma_wait3A_808 = arith.constant 0 : i32
      %dma_wait3A_809 = arith.constant 0 : i32
      %dma_wait3A_810 = tpu.memref_slice %arg6[%select_n3A_562, %dma_wait3A_807, %dma_wait3A_808, %dma_wait3A_809] : memref<2x8x128x32xf32, #tpu.memory_space<vmem>> -> memref<1x1x128x32xf32, #tpu.memory_space<vmem>>
      %dma_wait3A_811 = tpu.memref_squeeze %dma_wait3A_810 : memref<1x1x128x32xf32, #tpu.memory_space<vmem>> -> memref<128x32xf32, #tpu.memory_space<vmem>>
      %dma_wait3A_812 = arith.constant 0 : i32
      %dma_wait3A_813 = tpu.memref_slice %arg5[%select_n3A_562, %dma_wait3A_806, %dma_wait3A_812] : memref<2x8x128xi32, #tpu.memory_space<vmem>> -> memref<1x1x128xi32, #tpu.memory_space<vmem>>
      %dma_wait3A_814 = tpu.memref_squeeze %dma_wait3A_813 : memref<1x1x128xi32, #tpu.memory_space<vmem>> -> memref<128xi32, #tpu.memory_space<vmem>>
      %dma_wait3A_815 = arith.constant 0 : i32
      %dma_wait3A_816 = arith.constant 0 : i32
      %dma_wait3A_817 = tpu.memref_slice %arg3[%dma_wait3A_815, %dma_wait3A_816] : memref<1000000x32xf32, #tpu.memory_space<hbm>> -> memref<1000000x32xf32, #tpu.memory_space<hbm>>
      %dma_wait3A_818 = tpu.memref_slice %arg8[%select_n3A_562] : memref<2x!tpu.dma_semaphore, #tpu.memory_space<semaphore_mem>> -> memref<1x!tpu.dma_semaphore, #tpu.memory_space<semaphore_mem>>
      %dma_wait3A_819 = tpu.memref_squeeze %dma_wait3A_818 : memref<1x!tpu.dma_semaphore, #tpu.memory_space<semaphore_mem>> -> memref<!tpu.dma_semaphore, #tpu.memory_space<semaphore_mem>>
      tpu.wait_indirect_dma semaphore(%dma_wait3A_819 : memref<!tpu.dma_semaphore, #tpu.memory_space<semaphore_mem>>) src(%dma_wait3A_817 : memref<1000000x32xf32, #tpu.memory_space<hbm>>) dst(%dma_wait3A_811 : memref<128x32xf32, #tpu.memory_space<vmem>>)
      %dma_wait3A_820 = arith.constant 1 : i32
      %dma_wait3A_821 = arith.constant 1 : i32
      %dma_wait3A_822 = arith.constant 0 : i32
      %dma_wait3A_823 = arith.constant 0 : i32
      %dma_wait3A_824 = tpu.memref_slice %arg6[%select_n3A_562, %dma_wait3A_821, %dma_wait3A_822, %dma_wait3A_823] : memref<2x8x128x32xf32, #tpu.memory_space<vmem>> -> memref<1x1x128x32xf32, #tpu.memory_space<vmem>>
      %dma_wait3A_825 = tpu.memref_squeeze %dma_wait3A_824 : memref<1x1x128x32xf32, #tpu.memory_space<vmem>> -> memref<128x32xf32, #tpu.memory_space<vmem>>
      %dma_wait3A_826 = arith.constant 0 : i32
      %dma_wait3A_827 = tpu.memref_slice %arg5[%select_n3A_562, %dma_wait3A_820, %dma_wait3A_826] : memref<2x8x128xi32, #tpu.memory_space<vmem>> -> memref<1x1x128xi32, #tpu.memory_space<vmem>>
      %dma_wait3A_828 = tpu.memref_squeeze %dma_wait3A_827 : memref<1x1x128xi32, #tpu.memory_space<vmem>> -> memref<128xi32, #tpu.memory_space<vmem>>
      %dma_wait3A_829 = arith.constant 0 : i32
      %dma_wait3A_830 = arith.constant 0 : i32
      %dma_wait3A_831 = tpu.memref_slice %arg3[%dma_wait3A_829, %dma_wait3A_830] : memref<1000000x32xf32, #tpu.memory_space<hbm>> -> memref<1000000x32xf32, #tpu.memory_space<hbm>>
      %dma_wait3A_832 = tpu.memref_slice %arg8[%select_n3A_562] : memref<2x!tpu.dma_semaphore, #tpu.memory_space<semaphore_mem>> -> memref<1x!tpu.dma_semaphore, #tpu.memory_space<semaphore_mem>>
      %dma_wait3A_833 = tpu.memref_squeeze %dma_wait3A_832 : memref<1x!tpu.dma_semaphore, #tpu.memory_space<semaphore_mem>> -> memref<!tpu.dma_semaphore, #tpu.memory_space<semaphore_mem>>
      tpu.wait_indirect_dma semaphore(%dma_wait3A_833 : memref<!tpu.dma_semaphore, #tpu.memory_space<semaphore_mem>>) src(%dma_wait3A_831 : memref<1000000x32xf32, #tpu.memory_space<hbm>>) dst(%dma_wait3A_825 : memref<128x32xf32, #tpu.memory_space<vmem>>)
      %dma_wait3A_834 = arith.constant 2 : i32
      %dma_wait3A_835 = arith.constant 2 : i32
      %dma_wait3A_836 = arith.constant 0 : i32
      %dma_wait3A_837 = arith.constant 0 : i32
      %dma_wait3A_838 = tpu.memref_slice %arg6[%select_n3A_562, %dma_wait3A_835, %dma_wait3A_836, %dma_wait3A_837] : memref<2x8x128x32xf32, #tpu.memory_space<vmem>> -> memref<1x1x128x32xf32, #tpu.memory_space<vmem>>
      %dma_wait3A_839 = tpu.memref_squeeze %dma_wait3A_838 : memref<1x1x128x32xf32, #tpu.memory_space<vmem>> -> memref<128x32xf32, #tpu.memory_space<vmem>>
      %dma_wait3A_840 = arith.constant 0 : i32
      %dma_wait3A_841 = tpu.memref_slice %arg5[%select_n3A_562, %dma_wait3A_834, %dma_wait3A_840] : memref<2x8x128xi32, #tpu.memory_space<vmem>> -> memref<1x1x128xi32, #tpu.memory_space<vmem>>
      %dma_wait3A_842 = tpu.memref_squeeze %dma_wait3A_841 : memref<1x1x128xi32, #tpu.memory_space<vmem>> -> memref<128xi32, #tpu.memory_space<vmem>>
      %dma_wait3A_843 = arith.constant 0 : i32
      %dma_wait3A_844 = arith.constant 0 : i32
      %dma_wait3A_845 = tpu.memref_slice %arg3[%dma_wait3A_843, %dma_wait3A_844] : memref<1000000x32xf32, #tpu.memory_space<hbm>> -> memref<1000000x32xf32, #tpu.memory_space<hbm>>
      %dma_wait3A_846 = tpu.memref_slice %arg8[%select_n3A_562] : memref<2x!tpu.dma_semaphore, #tpu.memory_space<semaphore_mem>> -> memref<1x!tpu.dma_semaphore, #tpu.memory_space<semaphore_mem>>
      %dma_wait3A_847 = tpu.memref_squeeze %dma_wait3A_846 : memref<1x!tpu.dma_semaphore, #tpu.memory_space<semaphore_mem>> -> memref<!tpu.dma_semaphore, #tpu.memory_space<semaphore_mem>>
      tpu.wait_indirect_dma semaphore(%dma_wait3A_847 : memref<!tpu.dma_semaphore, #tpu.memory_space<semaphore_mem>>) src(%dma_wait3A_845 : memref<1000000x32xf32, #tpu.memory_space<hbm>>) dst(%dma_wait3A_839 : memref<128x32xf32, #tpu.memory_space<vmem>>)
      %dma_wait3A_848 = arith.constant 3 : i32
      %dma_wait3A_849 = arith.constant 3 : i32
      %dma_wait3A_850 = arith.constant 0 : i32
      %dma_wait3A_851 = arith.constant 0 : i32
      %dma_wait3A_852 = tpu.memref_slice %arg6[%select_n3A_562, %dma_wait3A_849, %dma_wait3A_850, %dma_wait3A_851] : memref<2x8x128x32xf32, #tpu.memory_space<vmem>> -> memref<1x1x128x32xf32, #tpu.memory_space<vmem>>
      %dma_wait3A_853 = tpu.memref_squeeze %dma_wait3A_852 : memref<1x1x128x32xf32, #tpu.memory_space<vmem>> -> memref<128x32xf32, #tpu.memory_space<vmem>>
      %dma_wait3A_854 = arith.constant 0 : i32
      %dma_wait3A_855 = tpu.memref_slice %arg5[%select_n3A_562, %dma_wait3A_848, %dma_wait3A_854] : memref<2x8x128xi32, #tpu.memory_space<vmem>> -> memref<1x1x128xi32, #tpu.memory_space<vmem>>
      %dma_wait3A_856 = tpu.memref_squeeze %dma_wait3A_855 : memref<1x1x128xi32, #tpu.memory_space<vmem>> -> memref<128xi32, #tpu.memory_space<vmem>>
      %dma_wait3A_857 = arith.constant 0 : i32
      %dma_wait3A_858 = arith.constant 0 : i32
      %dma_wait3A_859 = tpu.memref_slice %arg3[%dma_wait3A_857, %dma_wait3A_858] : memref<1000000x32xf32, #tpu.memory_space<hbm>> -> memref<1000000x32xf32, #tpu.memory_space<hbm>>
      %dma_wait3A_860 = tpu.memref_slice %arg8[%select_n3A_562] : memref<2x!tpu.dma_semaphore, #tpu.memory_space<semaphore_mem>> -> memref<1x!tpu.dma_semaphore, #tpu.memory_space<semaphore_mem>>
      %dma_wait3A_861 = tpu.memref_squeeze %dma_wait3A_860 : memref<1x!tpu.dma_semaphore, #tpu.memory_space<semaphore_mem>> -> memref<!tpu.dma_semaphore, #tpu.memory_space<semaphore_mem>>
      tpu.wait_indirect_dma semaphore(%dma_wait3A_861 : memref<!tpu.dma_semaphore, #tpu.memory_space<semaphore_mem>>) src(%dma_wait3A_859 : memref<1000000x32xf32, #tpu.memory_space<hbm>>) dst(%dma_wait3A_853 : memref<128x32xf32, #tpu.memory_space<vmem>>)
      %dma_wait3A_862 = arith.constant 4 : i32
      %dma_wait3A_863 = arith.constant 4 : i32
      %dma_wait3A_864 = arith.constant 0 : i32
      %dma_wait3A_865 = arith.constant 0 : i32
      %dma_wait3A_866 = tpu.memref_slice %arg6[%select_n3A_562, %dma_wait3A_863, %dma_wait3A_864, %dma_wait3A_865] : memref<2x8x128x32xf32, #tpu.memory_space<vmem>> -> memref<1x1x128x32xf32, #tpu.memory_space<vmem>>
      %dma_wait3A_867 = tpu.memref_squeeze %dma_wait3A_866 : memref<1x1x128x32xf32, #tpu.memory_space<vmem>> -> memref<128x32xf32, #tpu.memory_space<vmem>>
      %dma_wait3A_868 = arith.constant 0 : i32
      %dma_wait3A_869 = tpu.memref_slice %arg5[%select_n3A_562, %dma_wait3A_862, %dma_wait3A_868] : memref<2x8x128xi32, #tpu.memory_space<vmem>> -> memref<1x1x128xi32, #tpu.memory_space<vmem>>
      %dma_wait3A_870 = tpu.memref_squeeze %dma_wait3A_869 : memref<1x1x128xi32, #tpu.memory_space<vmem>> -> memref<128xi32, #tpu.memory_space<vmem>>
      %dma_wait3A_871 = arith.constant 0 : i32
      %dma_wait3A_872 = arith.constant 0 : i32
      %dma_wait3A_873 = tpu.memref_slice %arg3[%dma_wait3A_871, %dma_wait3A_872] : memref<1000000x32xf32, #tpu.memory_space<hbm>> -> memref<1000000x32xf32, #tpu.memory_space<hbm>>
      %dma_wait3A_874 = tpu.memref_slice %arg8[%select_n3A_562] : memref<2x!tpu.dma_semaphore, #tpu.memory_space<semaphore_mem>> -> memref<1x!tpu.dma_semaphore, #tpu.memory_space<semaphore_mem>>
      %dma_wait3A_875 = tpu.memref_squeeze %dma_wait3A_874 : memref<1x!tpu.dma_semaphore, #tpu.memory_space<semaphore_mem>> -> memref<!tpu.dma_semaphore, #tpu.memory_space<semaphore_mem>>
      tpu.wait_indirect_dma semaphore(%dma_wait3A_875 : memref<!tpu.dma_semaphore, #tpu.memory_space<semaphore_mem>>) src(%dma_wait3A_873 : memref<1000000x32xf32, #tpu.memory_space<hbm>>) dst(%dma_wait3A_867 : memref<128x32xf32, #tpu.memory_space<vmem>>)
      %dma_wait3A_876 = arith.constant 5 : i32
      %dma_wait3A_877 = arith.constant 5 : i32
      %dma_wait3A_878 = arith.constant 0 : i32
      %dma_wait3A_879 = arith.constant 0 : i32
      %dma_wait3A_880 = tpu.memref_slice %arg6[%select_n3A_562, %dma_wait3A_877, %dma_wait3A_878, %dma_wait3A_879] : memref<2x8x128x32xf32, #tpu.memory_space<vmem>> -> memref<1x1x128x32xf32, #tpu.memory_space<vmem>>
      %dma_wait3A_881 = tpu.memref_squeeze %dma_wait3A_880 : memref<1x1x128x32xf32, #tpu.memory_space<vmem>> -> memref<128x32xf32, #tpu.memory_space<vmem>>
      %dma_wait3A_882 = arith.constant 0 : i32
      %dma_wait3A_883 = tpu.memref_slice %arg5[%select_n3A_562, %dma_wait3A_876, %dma_wait3A_882] : memref<2x8x128xi32, #tpu.memory_space<vmem>> -> memref<1x1x128xi32, #tpu.memory_space<vmem>>
      %dma_wait3A_884 = tpu.memref_squeeze %dma_wait3A_883 : memref<1x1x128xi32, #tpu.memory_space<vmem>> -> memref<128xi32, #tpu.memory_space<vmem>>
      %dma_wait3A_885 = arith.constant 0 : i32
      %dma_wait3A_886 = arith.constant 0 : i32
      %dma_wait3A_887 = tpu.memref_slice %arg3[%dma_wait3A_885, %dma_wait3A_886] : memref<1000000x32xf32, #tpu.memory_space<hbm>> -> memref<1000000x32xf32, #tpu.memory_space<hbm>>
      %dma_wait3A_888 = tpu.memref_slice %arg8[%select_n3A_562] : memref<2x!tpu.dma_semaphore, #tpu.memory_space<semaphore_mem>> -> memref<1x!tpu.dma_semaphore, #tpu.memory_space<semaphore_mem>>
      %dma_wait3A_889 = tpu.memref_squeeze %dma_wait3A_888 : memref<1x!tpu.dma_semaphore, #tpu.memory_space<semaphore_mem>> -> memref<!tpu.dma_semaphore, #tpu.memory_space<semaphore_mem>>
      tpu.wait_indirect_dma semaphore(%dma_wait3A_889 : memref<!tpu.dma_semaphore, #tpu.memory_space<semaphore_mem>>) src(%dma_wait3A_887 : memref<1000000x32xf32, #tpu.memory_space<hbm>>) dst(%dma_wait3A_881 : memref<128x32xf32, #tpu.memory_space<vmem>>)
      %dma_wait3A_890 = arith.constant 6 : i32
      %dma_wait3A_891 = arith.constant 6 : i32
      %dma_wait3A_892 = arith.constant 0 : i32
      %dma_wait3A_893 = arith.constant 0 : i32
      %dma_wait3A_894 = tpu.memref_slice %arg6[%select_n3A_562, %dma_wait3A_891, %dma_wait3A_892, %dma_wait3A_893] : memref<2x8x128x32xf32, #tpu.memory_space<vmem>> -> memref<1x1x128x32xf32, #tpu.memory_space<vmem>>
      %dma_wait3A_895 = tpu.memref_squeeze %dma_wait3A_894 : memref<1x1x128x32xf32, #tpu.memory_space<vmem>> -> memref<128x32xf32, #tpu.memory_space<vmem>>
      %dma_wait3A_896 = arith.constant 0 : i32
      %dma_wait3A_897 = tpu.memref_slice %arg5[%select_n3A_562, %dma_wait3A_890, %dma_wait3A_896] : memref<2x8x128xi32, #tpu.memory_space<vmem>> -> memref<1x1x128xi32, #tpu.memory_space<vmem>>
      %dma_wait3A_898 = tpu.memref_squeeze %dma_wait3A_897 : memref<1x1x128xi32, #tpu.memory_space<vmem>> -> memref<128xi32, #tpu.memory_space<vmem>>
      %dma_wait3A_899 = arith.constant 0 : i32
      %dma_wait3A_900 = arith.constant 0 : i32
      %dma_wait3A_901 = tpu.memref_slice %arg3[%dma_wait3A_899, %dma_wait3A_900] : memref<1000000x32xf32, #tpu.memory_space<hbm>> -> memref<1000000x32xf32, #tpu.memory_space<hbm>>
      %dma_wait3A_902 = tpu.memref_slice %arg8[%select_n3A_562] : memref<2x!tpu.dma_semaphore, #tpu.memory_space<semaphore_mem>> -> memref<1x!tpu.dma_semaphore, #tpu.memory_space<semaphore_mem>>
      %dma_wait3A_903 = tpu.memref_squeeze %dma_wait3A_902 : memref<1x!tpu.dma_semaphore, #tpu.memory_space<semaphore_mem>> -> memref<!tpu.dma_semaphore, #tpu.memory_space<semaphore_mem>>
      tpu.wait_indirect_dma semaphore(%dma_wait3A_903 : memref<!tpu.dma_semaphore, #tpu.memory_space<semaphore_mem>>) src(%dma_wait3A_901 : memref<1000000x32xf32, #tpu.memory_space<hbm>>) dst(%dma_wait3A_895 : memref<128x32xf32, #tpu.memory_space<vmem>>)
      %dma_wait3A_904 = arith.constant 7 : i32
      %dma_wait3A_905 = arith.constant 7 : i32
      %dma_wait3A_906 = arith.constant 0 : i32
      %dma_wait3A_907 = arith.constant 0 : i32
      %dma_wait3A_908 = tpu.memref_slice %arg6[%select_n3A_562, %dma_wait3A_905, %dma_wait3A_906, %dma_wait3A_907] : memref<2x8x128x32xf32, #tpu.memory_space<vmem>> -> memref<1x1x128x32xf32, #tpu.memory_space<vmem>>
      %dma_wait3A_909 = tpu.memref_squeeze %dma_wait3A_908 : memref<1x1x128x32xf32, #tpu.memory_space<vmem>> -> memref<128x32xf32, #tpu.memory_space<vmem>>
      %dma_wait3A_910 = arith.constant 0 : i32
      %dma_wait3A_911 = tpu.memref_slice %arg5[%select_n3A_562, %dma_wait3A_904, %dma_wait3A_910] : memref<2x8x128xi32, #tpu.memory_space<vmem>> -> memref<1x1x128xi32, #tpu.memory_space<vmem>>
      %dma_wait3A_912 = tpu.memref_squeeze %dma_wait3A_911 : memref<1x1x128xi32, #tpu.memory_space<vmem>> -> memref<128xi32, #tpu.memory_space<vmem>>
      %dma_wait3A_913 = arith.constant 0 : i32
      %dma_wait3A_914 = arith.constant 0 : i32
      %dma_wait3A_915 = tpu.memref_slice %arg3[%dma_wait3A_913, %dma_wait3A_914] : memref<1000000x32xf32, #tpu.memory_space<hbm>> -> memref<1000000x32xf32, #tpu.memory_space<hbm>>
      %dma_wait3A_916 = tpu.memref_slice %arg8[%select_n3A_562] : memref<2x!tpu.dma_semaphore, #tpu.memory_space<semaphore_mem>> -> memref<1x!tpu.dma_semaphore, #tpu.memory_space<semaphore_mem>>
      %dma_wait3A_917 = tpu.memref_squeeze %dma_wait3A_916 : memref<1x!tpu.dma_semaphore, #tpu.memory_space<semaphore_mem>> -> memref<!tpu.dma_semaphore, #tpu.memory_space<semaphore_mem>>
      tpu.wait_indirect_dma semaphore(%dma_wait3A_917 : memref<!tpu.dma_semaphore, #tpu.memory_space<semaphore_mem>>) src(%dma_wait3A_915 : memref<1000000x32xf32, #tpu.memory_space<hbm>>) dst(%dma_wait3A_909 : memref<128x32xf32, #tpu.memory_space<vmem>>)
      %mul3A_918 = arith.constant 8 : i32
      %mul3A_919 = arith.muli %mul3A_918, %select_n3A_789 : i32
      %add3A_920 = arith.constant 0 : i32
      %add3A_921 = arith.addi %mul3A_919, %add3A_920 : i32
      %mul3A_922 = arith.constant 128 : i32
      %mul3A_923 = arith.muli %select_n3A_805, %mul3A_922 : i32
      %dma_start3A_924 = arith.constant 0 : i32
      %dma_start3A_925 = arith.constant 0 : i32
      %dma_start3A_926 = arith.constant 0 : i32
      %dma_start3A_927 = tpu.memref_slice %arg6[%select_n3A_562, %dma_start3A_924, %dma_start3A_925, %dma_start3A_926] : memref<2x8x128x32xf32, #tpu.memory_space<vmem>> -> memref<1x1x128x32xf32, #tpu.memory_space<vmem>>
      %dma_start3A_928 = tpu.memref_squeeze %dma_start3A_927 : memref<1x1x128x32xf32, #tpu.memory_space<vmem>> -> memref<128x32xf32, #tpu.memory_space<vmem>>
      %dma_start3A_929 = arith.constant 0 : i32
      %dma_start3A_930 = tpu.memref_slice %arg4[%add3A_921, %mul3A_923, %dma_start3A_929] : memref<200x16384x32xf32, #tpu.memory_space<hbm>> -> memref<1x128x32xf32, #tpu.memory_space<hbm>>
      %dma_start3A_931 = tpu.memref_squeeze %dma_start3A_930 : memref<1x128x32xf32, #tpu.memory_space<hbm>> -> memref<128x32xf32, #tpu.memory_space<hbm>>
      %dma_start3A_932 = tpu.memref_slice %arg9[%select_n3A_562] : memref<2x!tpu.dma_semaphore, #tpu.memory_space<semaphore_mem>> -> memref<1x!tpu.dma_semaphore, #tpu.memory_space<semaphore_mem>>
      %dma_start3A_933 = tpu.memref_squeeze %dma_start3A_932 : memref<1x!tpu.dma_semaphore, #tpu.memory_space<semaphore_mem>> -> memref<!tpu.dma_semaphore, #tpu.memory_space<semaphore_mem>>
      %dma_start3A_934 = arith.constant 0 : i32
      %dma_start3A_935 = tpu.memref_slice %arg4[%add3A_921, %mul3A_923, %dma_start3A_934] : memref<200x16384x32xf32, #tpu.memory_space<hbm>> -> memref<1x128x32xf32, #tpu.memory_space<hbm>>
      %dma_start3A_936 = tpu.memref_squeeze %dma_start3A_935 : memref<1x128x32xf32, #tpu.memory_space<hbm>> -> memref<128x32xf32, #tpu.memory_space<hbm>>
      %dma_start3A_937 = arith.constant 0 : i32
      %dma_start3A_938 = arith.constant 0 : i32
      %dma_start3A_939 = tpu.memref_slice %arg6[%select_n3A_562, %dma_start3A_924, %dma_start3A_937, %dma_start3A_938] : memref<2x8x128x32xf32, #tpu.memory_space<vmem>> -> memref<1x1x128x32xf32, #tpu.memory_space<vmem>>
      %dma_start3A_940 = tpu.memref_squeeze %dma_start3A_939 : memref<1x1x128x32xf32, #tpu.memory_space<vmem>> -> memref<128x32xf32, #tpu.memory_space<vmem>>
      tpu.enqueue_dma source(%dma_start3A_940 : memref<128x32xf32, #tpu.memory_space<vmem>>) target(%dma_start3A_936 : memref<128x32xf32, #tpu.memory_space<hbm>>) target_semaphore(%dma_start3A_933 : memref<!tpu.dma_semaphore, #tpu.memory_space<semaphore_mem>>)
      %mul3A_941 = arith.constant 8 : i32
      %mul3A_942 = arith.muli %mul3A_941, %select_n3A_789 : i32
      %add3A_943 = arith.constant 1 : i32
      %add3A_944 = arith.addi %mul3A_942, %add3A_943 : i32
      %mul3A_945 = arith.constant 128 : i32
      %mul3A_946 = arith.muli %select_n3A_805, %mul3A_945 : i32
      %dma_start3A_947 = arith.constant 1 : i32
      %dma_start3A_948 = arith.constant 0 : i32
      %dma_start3A_949 = arith.constant 0 : i32
      %dma_start3A_950 = tpu.memref_slice %arg6[%select_n3A_562, %dma_start3A_947, %dma_start3A_948, %dma_start3A_949] : memref<2x8x128x32xf32, #tpu.memory_space<vmem>> -> memref<1x1x128x32xf32, #tpu.memory_space<vmem>>
      %dma_start3A_951 = tpu.memref_squeeze %dma_start3A_950 : memref<1x1x128x32xf32, #tpu.memory_space<vmem>> -> memref<128x32xf32, #tpu.memory_space<vmem>>
      %dma_start3A_952 = arith.constant 0 : i32
      %dma_start3A_953 = tpu.memref_slice %arg4[%add3A_944, %mul3A_946, %dma_start3A_952] : memref<200x16384x32xf32, #tpu.memory_space<hbm>> -> memref<1x128x32xf32, #tpu.memory_space<hbm>>
      %dma_start3A_954 = tpu.memref_squeeze %dma_start3A_953 : memref<1x128x32xf32, #tpu.memory_space<hbm>> -> memref<128x32xf32, #tpu.memory_space<hbm>>
      %dma_start3A_955 = tpu.memref_slice %arg9[%select_n3A_562] : memref<2x!tpu.dma_semaphore, #tpu.memory_space<semaphore_mem>> -> memref<1x!tpu.dma_semaphore, #tpu.memory_space<semaphore_mem>>
      %dma_start3A_956 = tpu.memref_squeeze %dma_start3A_955 : memref<1x!tpu.dma_semaphore, #tpu.memory_space<semaphore_mem>> -> memref<!tpu.dma_semaphore, #tpu.memory_space<semaphore_mem>>
      %dma_start3A_957 = arith.constant 0 : i32
      %dma_start3A_958 = tpu.memref_slice %arg4[%add3A_944, %mul3A_946, %dma_start3A_957] : memref<200x16384x32xf32, #tpu.memory_space<hbm>> -> memref<1x128x32xf32, #tpu.memory_space<hbm>>
      %dma_start3A_959 = tpu.memref_squeeze %dma_start3A_958 : memref<1x128x32xf32, #tpu.memory_space<hbm>> -> memref<128x32xf32, #tpu.memory_space<hbm>>
      %dma_start3A_960 = arith.constant 0 : i32
      %dma_start3A_961 = arith.constant 0 : i32
      %dma_start3A_962 = tpu.memref_slice %arg6[%select_n3A_562, %dma_start3A_947, %dma_start3A_960, %dma_start3A_961] : memref<2x8x128x32xf32, #tpu.memory_space<vmem>> -> memref<1x1x128x32xf32, #tpu.memory_space<vmem>>
      %dma_start3A_963 = tpu.memref_squeeze %dma_start3A_962 : memref<1x1x128x32xf32, #tpu.memory_space<vmem>> -> memref<128x32xf32, #tpu.memory_space<vmem>>
      tpu.enqueue_dma source(%dma_start3A_963 : memref<128x32xf32, #tpu.memory_space<vmem>>) target(%dma_start3A_959 : memref<128x32xf32, #tpu.memory_space<hbm>>) target_semaphore(%dma_start3A_956 : memref<!tpu.dma_semaphore, #tpu.memory_space<semaphore_mem>>)
      %mul3A_964 = arith.constant 8 : i32
      %mul3A_965 = arith.muli %mul3A_964, %select_n3A_789 : i32
      %add3A_966 = arith.constant 2 : i32
      %add3A_967 = arith.addi %mul3A_965, %add3A_966 : i32
      %mul3A_968 = arith.constant 128 : i32
      %mul3A_969 = arith.muli %select_n3A_805, %mul3A_968 : i32
      %dma_start3A_970 = arith.constant 2 : i32
      %dma_start3A_971 = arith.constant 0 : i32
      %dma_start3A_972 = arith.constant 0 : i32
      %dma_start3A_973 = tpu.memref_slice %arg6[%select_n3A_562, %dma_start3A_970, %dma_start3A_971, %dma_start3A_972] : memref<2x8x128x32xf32, #tpu.memory_space<vmem>> -> memref<1x1x128x32xf32, #tpu.memory_space<vmem>>
      %dma_start3A_974 = tpu.memref_squeeze %dma_start3A_973 : memref<1x1x128x32xf32, #tpu.memory_space<vmem>> -> memref<128x32xf32, #tpu.memory_space<vmem>>
      %dma_start3A_975 = arith.constant 0 : i32
      %dma_start3A_976 = tpu.memref_slice %arg4[%add3A_967, %mul3A_969, %dma_start3A_975] : memref<200x16384x32xf32, #tpu.memory_space<hbm>> -> memref<1x128x32xf32, #tpu.memory_space<hbm>>
      %dma_start3A_977 = tpu.memref_squeeze %dma_start3A_976 : memref<1x128x32xf32, #tpu.memory_space<hbm>> -> memref<128x32xf32, #tpu.memory_space<hbm>>
      %dma_start3A_978 = tpu.memref_slice %arg9[%select_n3A_562] : memref<2x!tpu.dma_semaphore, #tpu.memory_space<semaphore_mem>> -> memref<1x!tpu.dma_semaphore, #tpu.memory_space<semaphore_mem>>
      %dma_start3A_979 = tpu.memref_squeeze %dma_start3A_978 : memref<1x!tpu.dma_semaphore, #tpu.memory_space<semaphore_mem>> -> memref<!tpu.dma_semaphore, #tpu.memory_space<semaphore_mem>>
      %dma_start3A_980 = arith.constant 0 : i32
      %dma_start3A_981 = tpu.memref_slice %arg4[%add3A_967, %mul3A_969, %dma_start3A_980] : memref<200x16384x32xf32, #tpu.memory_space<hbm>> -> memref<1x128x32xf32, #tpu.memory_space<hbm>>
      %dma_start3A_982 = tpu.memref_squeeze %dma_start3A_981 : memref<1x128x32xf32, #tpu.memory_space<hbm>> -> memref<128x32xf32, #tpu.memory_space<hbm>>
      %dma_start3A_983 = arith.constant 0 : i32
      %dma_start3A_984 = arith.constant 0 : i32
      %dma_start3A_985 = tpu.memref_slice %arg6[%select_n3A_562, %dma_start3A_970, %dma_start3A_983, %dma_start3A_984] : memref<2x8x128x32xf32, #tpu.memory_space<vmem>> -> memref<1x1x128x32xf32, #tpu.memory_space<vmem>>
      %dma_start3A_986 = tpu.memref_squeeze %dma_start3A_985 : memref<1x1x128x32xf32, #tpu.memory_space<vmem>> -> memref<128x32xf32, #tpu.memory_space<vmem>>
      tpu.enqueue_dma source(%dma_start3A_986 : memref<128x32xf32, #tpu.memory_space<vmem>>) target(%dma_start3A_982 : memref<128x32xf32, #tpu.memory_space<hbm>>) target_semaphore(%dma_start3A_979 : memref<!tpu.dma_semaphore, #tpu.memory_space<semaphore_mem>>)
      %mul3A_987 = arith.constant 8 : i32
      %mul3A_988 = arith.muli %mul3A_987, %select_n3A_789 : i32
      %add3A_989 = arith.constant 3 : i32
      %add3A_990 = arith.addi %mul3A_988, %add3A_989 : i32
      %mul3A_991 = arith.constant 128 : i32
      %mul3A_992 = arith.muli %select_n3A_805, %mul3A_991 : i32
      %dma_start3A_993 = arith.constant 3 : i32
      %dma_start3A_994 = arith.constant 0 : i32
      %dma_start3A_995 = arith.constant 0 : i32
      %dma_start3A_996 = tpu.memref_slice %arg6[%select_n3A_562, %dma_start3A_993, %dma_start3A_994, %dma_start3A_995] : memref<2x8x128x32xf32, #tpu.memory_space<vmem>> -> memref<1x1x128x32xf32, #tpu.memory_space<vmem>>
      %dma_start3A_997 = tpu.memref_squeeze %dma_start3A_996 : memref<1x1x128x32xf32, #tpu.memory_space<vmem>> -> memref<128x32xf32, #tpu.memory_space<vmem>>
      %dma_start3A_998 = arith.constant 0 : i32
      %dma_start3A_999 = tpu.memref_slice %arg4[%add3A_990, %mul3A_992, %dma_start3A_998] : memref<200x16384x32xf32, #tpu.memory_space<hbm>> -> memref<1x128x32xf32, #tpu.memory_space<hbm>>
      %dma_start3A_1000 = tpu.memref_squeeze %dma_start3A_999 : memref<1x128x32xf32, #tpu.memory_space<hbm>> -> memref<128x32xf32, #tpu.memory_space<hbm>>
      %dma_start3A_1001 = tpu.memref_slice %arg9[%select_n3A_562] : memref<2x!tpu.dma_semaphore, #tpu.memory_space<semaphore_mem>> -> memref<1x!tpu.dma_semaphore, #tpu.memory_space<semaphore_mem>>
      %dma_start3A_1002 = tpu.memref_squeeze %dma_start3A_1001 : memref<1x!tpu.dma_semaphore, #tpu.memory_space<semaphore_mem>> -> memref<!tpu.dma_semaphore, #tpu.memory_space<semaphore_mem>>
      %dma_start3A_1003 = arith.constant 0 : i32
      %dma_start3A_1004 = tpu.memref_slice %arg4[%add3A_990, %mul3A_992, %dma_start3A_1003] : memref<200x16384x32xf32, #tpu.memory_space<hbm>> -> memref<1x128x32xf32, #tpu.memory_space<hbm>>
      %dma_start3A_1005 = tpu.memref_squeeze %dma_start3A_1004 : memref<1x128x32xf32, #tpu.memory_space<hbm>> -> memref<128x32xf32, #tpu.memory_space<hbm>>
      %dma_start3A_1006 = arith.constant 0 : i32
      %dma_start3A_1007 = arith.constant 0 : i32
      %dma_start3A_1008 = tpu.memref_slice %arg6[%select_n3A_562, %dma_start3A_993, %dma_start3A_1006, %dma_start3A_1007] : memref<2x8x128x32xf32, #tpu.memory_space<vmem>> -> memref<1x1x128x32xf32, #tpu.memory_space<vmem>>
      %dma_start3A_1009 = tpu.memref_squeeze %dma_start3A_1008 : memref<1x1x128x32xf32, #tpu.memory_space<vmem>> -> memref<128x32xf32, #tpu.memory_space<vmem>>
      tpu.enqueue_dma source(%dma_start3A_1009 : memref<128x32xf32, #tpu.memory_space<vmem>>) target(%dma_start3A_1005 : memref<128x32xf32, #tpu.memory_space<hbm>>) target_semaphore(%dma_start3A_1002 : memref<!tpu.dma_semaphore, #tpu.memory_space<semaphore_mem>>)
      %mul3A_1010 = arith.constant 8 : i32
      %mul3A_1011 = arith.muli %mul3A_1010, %select_n3A_789 : i32
      %add3A_1012 = arith.constant 4 : i32
      %add3A_1013 = arith.addi %mul3A_1011, %add3A_1012 : i32
      %mul3A_1014 = arith.constant 128 : i32
      %mul3A_1015 = arith.muli %select_n3A_805, %mul3A_1014 : i32
      %dma_start3A_1016 = arith.constant 4 : i32
      %dma_start3A_1017 = arith.constant 0 : i32
      %dma_start3A_1018 = arith.constant 0 : i32
      %dma_start3A_1019 = tpu.memref_slice %arg6[%select_n3A_562, %dma_start3A_1016, %dma_start3A_1017, %dma_start3A_1018] : memref<2x8x128x32xf32, #tpu.memory_space<vmem>> -> memref<1x1x128x32xf32, #tpu.memory_space<vmem>>
      %dma_start3A_1020 = tpu.memref_squeeze %dma_start3A_1019 : memref<1x1x128x32xf32, #tpu.memory_space<vmem>> -> memref<128x32xf32, #tpu.memory_space<vmem>>
      %dma_start3A_1021 = arith.constant 0 : i32
      %dma_start3A_1022 = tpu.memref_slice %arg4[%add3A_1013, %mul3A_1015, %dma_start3A_1021] : memref<200x16384x32xf32, #tpu.memory_space<hbm>> -> memref<1x128x32xf32, #tpu.memory_space<hbm>>
      %dma_start3A_1023 = tpu.memref_squeeze %dma_start3A_1022 : memref<1x128x32xf32, #tpu.memory_space<hbm>> -> memref<128x32xf32, #tpu.memory_space<hbm>>
      %dma_start3A_1024 = tpu.memref_slice %arg9[%select_n3A_562] : memref<2x!tpu.dma_semaphore, #tpu.memory_space<semaphore_mem>> -> memref<1x!tpu.dma_semaphore, #tpu.memory_space<semaphore_mem>>
      %dma_start3A_1025 = tpu.memref_squeeze %dma_start3A_1024 : memref<1x!tpu.dma_semaphore, #tpu.memory_space<semaphore_mem>> -> memref<!tpu.dma_semaphore, #tpu.memory_space<semaphore_mem>>
      %dma_start3A_1026 = arith.constant 0 : i32
      %dma_start3A_1027 = tpu.memref_slice %arg4[%add3A_1013, %mul3A_1015, %dma_start3A_1026] : memref<200x16384x32xf32, #tpu.memory_space<hbm>> -> memref<1x128x32xf32, #tpu.memory_space<hbm>>
      %dma_start3A_1028 = tpu.memref_squeeze %dma_start3A_1027 : memref<1x128x32xf32, #tpu.memory_space<hbm>> -> memref<128x32xf32, #tpu.memory_space<hbm>>
      %dma_start3A_1029 = arith.constant 0 : i32
      %dma_start3A_1030 = arith.constant 0 : i32
      %dma_start3A_1031 = tpu.memref_slice %arg6[%select_n3A_562, %dma_start3A_1016, %dma_start3A_1029, %dma_start3A_1030] : memref<2x8x128x32xf32, #tpu.memory_space<vmem>> -> memref<1x1x128x32xf32, #tpu.memory_space<vmem>>
      %dma_start3A_1032 = tpu.memref_squeeze %dma_start3A_1031 : memref<1x1x128x32xf32, #tpu.memory_space<vmem>> -> memref<128x32xf32, #tpu.memory_space<vmem>>
      tpu.enqueue_dma source(%dma_start3A_1032 : memref<128x32xf32, #tpu.memory_space<vmem>>) target(%dma_start3A_1028 : memref<128x32xf32, #tpu.memory_space<hbm>>) target_semaphore(%dma_start3A_1025 : memref<!tpu.dma_semaphore, #tpu.memory_space<semaphore_mem>>)
      %mul3A_1033 = arith.constant 8 : i32
      %mul3A_1034 = arith.muli %mul3A_1033, %select_n3A_789 : i32
      %add3A_1035 = arith.constant 5 : i32
      %add3A_1036 = arith.addi %mul3A_1034, %add3A_1035 : i32
      %mul3A_1037 = arith.constant 128 : i32
      %mul3A_1038 = arith.muli %select_n3A_805, %mul3A_1037 : i32
      %dma_start3A_1039 = arith.constant 5 : i32
      %dma_start3A_1040 = arith.constant 0 : i32
      %dma_start3A_1041 = arith.constant 0 : i32
      %dma_start3A_1042 = tpu.memref_slice %arg6[%select_n3A_562, %dma_start3A_1039, %dma_start3A_1040, %dma_start3A_1041] : memref<2x8x128x32xf32, #tpu.memory_space<vmem>> -> memref<1x1x128x32xf32, #tpu.memory_space<vmem>>
      %dma_start3A_1043 = tpu.memref_squeeze %dma_start3A_1042 : memref<1x1x128x32xf32, #tpu.memory_space<vmem>> -> memref<128x32xf32, #tpu.memory_space<vmem>>
      %dma_start3A_1044 = arith.constant 0 : i32
      %dma_start3A_1045 = tpu.memref_slice %arg4[%add3A_1036, %mul3A_1038, %dma_start3A_1044] : memref<200x16384x32xf32, #tpu.memory_space<hbm>> -> memref<1x128x32xf32, #tpu.memory_space<hbm>>
      %dma_start3A_1046 = tpu.memref_squeeze %dma_start3A_1045 : memref<1x128x32xf32, #tpu.memory_space<hbm>> -> memref<128x32xf32, #tpu.memory_space<hbm>>
      %dma_start3A_1047 = tpu.memref_slice %arg9[%select_n3A_562] : memref<2x!tpu.dma_semaphore, #tpu.memory_space<semaphore_mem>> -> memref<1x!tpu.dma_semaphore, #tpu.memory_space<semaphore_mem>>
      %dma_start3A_1048 = tpu.memref_squeeze %dma_start3A_1047 : memref<1x!tpu.dma_semaphore, #tpu.memory_space<semaphore_mem>> -> memref<!tpu.dma_semaphore, #tpu.memory_space<semaphore_mem>>
      %dma_start3A_1049 = arith.constant 0 : i32
      %dma_start3A_1050 = tpu.memref_slice %arg4[%add3A_1036, %mul3A_1038, %dma_start3A_1049] : memref<200x16384x32xf32, #tpu.memory_space<hbm>> -> memref<1x128x32xf32, #tpu.memory_space<hbm>>
      %dma_start3A_1051 = tpu.memref_squeeze %dma_start3A_1050 : memref<1x128x32xf32, #tpu.memory_space<hbm>> -> memref<128x32xf32, #tpu.memory_space<hbm>>
      %dma_start3A_1052 = arith.constant 0 : i32
      %dma_start3A_1053 = arith.constant 0 : i32
      %dma_start3A_1054 = tpu.memref_slice %arg6[%select_n3A_562, %dma_start3A_1039, %dma_start3A_1052, %dma_start3A_1053] : memref<2x8x128x32xf32, #tpu.memory_space<vmem>> -> memref<1x1x128x32xf32, #tpu.memory_space<vmem>>
      %dma_start3A_1055 = tpu.memref_squeeze %dma_start3A_1054 : memref<1x1x128x32xf32, #tpu.memory_space<vmem>> -> memref<128x32xf32, #tpu.memory_space<vmem>>
      tpu.enqueue_dma source(%dma_start3A_1055 : memref<128x32xf32, #tpu.memory_space<vmem>>) target(%dma_start3A_1051 : memref<128x32xf32, #tpu.memory_space<hbm>>) target_semaphore(%dma_start3A_1048 : memref<!tpu.dma_semaphore, #tpu.memory_space<semaphore_mem>>)
      %mul3A_1056 = arith.constant 8 : i32
      %mul3A_1057 = arith.muli %mul3A_1056, %select_n3A_789 : i32
      %add3A_1058 = arith.constant 6 : i32
      %add3A_1059 = arith.addi %mul3A_1057, %add3A_1058 : i32
      %mul3A_1060 = arith.constant 128 : i32
      %mul3A_1061 = arith.muli %select_n3A_805, %mul3A_1060 : i32
      %dma_start3A_1062 = arith.constant 6 : i32
      %dma_start3A_1063 = arith.constant 0 : i32
      %dma_start3A_1064 = arith.constant 0 : i32
      %dma_start3A_1065 = tpu.memref_slice %arg6[%select_n3A_562, %dma_start3A_1062, %dma_start3A_1063, %dma_start3A_1064] : memref<2x8x128x32xf32, #tpu.memory_space<vmem>> -> memref<1x1x128x32xf32, #tpu.memory_space<vmem>>
      %dma_start3A_1066 = tpu.memref_squeeze %dma_start3A_1065 : memref<1x1x128x32xf32, #tpu.memory_space<vmem>> -> memref<128x32xf32, #tpu.memory_space<vmem>>
      %dma_start3A_1067 = arith.constant 0 : i32
      %dma_start3A_1068 = tpu.memref_slice %arg4[%add3A_1059, %mul3A_1061, %dma_start3A_1067] : memref<200x16384x32xf32, #tpu.memory_space<hbm>> -> memref<1x128x32xf32, #tpu.memory_space<hbm>>
      %dma_start3A_1069 = tpu.memref_squeeze %dma_start3A_1068 : memref<1x128x32xf32, #tpu.memory_space<hbm>> -> memref<128x32xf32, #tpu.memory_space<hbm>>
      %dma_start3A_1070 = tpu.memref_slice %arg9[%select_n3A_562] : memref<2x!tpu.dma_semaphore, #tpu.memory_space<semaphore_mem>> -> memref<1x!tpu.dma_semaphore, #tpu.memory_space<semaphore_mem>>
      %dma_start3A_1071 = tpu.memref_squeeze %dma_start3A_1070 : memref<1x!tpu.dma_semaphore, #tpu.memory_space<semaphore_mem>> -> memref<!tpu.dma_semaphore, #tpu.memory_space<semaphore_mem>>
      %dma_start3A_1072 = arith.constant 0 : i32
      %dma_start3A_1073 = tpu.memref_slice %arg4[%add3A_1059, %mul3A_1061, %dma_start3A_1072] : memref<200x16384x32xf32, #tpu.memory_space<hbm>> -> memref<1x128x32xf32, #tpu.memory_space<hbm>>
      %dma_start3A_1074 = tpu.memref_squeeze %dma_start3A_1073 : memref<1x128x32xf32, #tpu.memory_space<hbm>> -> memref<128x32xf32, #tpu.memory_space<hbm>>
      %dma_start3A_1075 = arith.constant 0 : i32
      %dma_start3A_1076 = arith.constant 0 : i32
      %dma_start3A_1077 = tpu.memref_slice %arg6[%select_n3A_562, %dma_start3A_1062, %dma_start3A_1075, %dma_start3A_1076] : memref<2x8x128x32xf32, #tpu.memory_space<vmem>> -> memref<1x1x128x32xf32, #tpu.memory_space<vmem>>
      %dma_start3A_1078 = tpu.memref_squeeze %dma_start3A_1077 : memref<1x1x128x32xf32, #tpu.memory_space<vmem>> -> memref<128x32xf32, #tpu.memory_space<vmem>>
      tpu.enqueue_dma source(%dma_start3A_1078 : memref<128x32xf32, #tpu.memory_space<vmem>>) target(%dma_start3A_1074 : memref<128x32xf32, #tpu.memory_space<hbm>>) target_semaphore(%dma_start3A_1071 : memref<!tpu.dma_semaphore, #tpu.memory_space<semaphore_mem>>)
      %mul3A_1079 = arith.constant 8 : i32
      %mul3A_1080 = arith.muli %mul3A_1079, %select_n3A_789 : i32
      %add3A_1081 = arith.constant 7 : i32
      %add3A_1082 = arith.addi %mul3A_1080, %add3A_1081 : i32
      %mul3A_1083 = arith.constant 128 : i32
      %mul3A_1084 = arith.muli %select_n3A_805, %mul3A_1083 : i32
      %dma_start3A_1085 = arith.constant 7 : i32
      %dma_start3A_1086 = arith.constant 0 : i32
      %dma_start3A_1087 = arith.constant 0 : i32
      %dma_start3A_1088 = tpu.memref_slice %arg6[%select_n3A_562, %dma_start3A_1085, %dma_start3A_1086, %dma_start3A_1087] : memref<2x8x128x32xf32, #tpu.memory_space<vmem>> -> memref<1x1x128x32xf32, #tpu.memory_space<vmem>>
      %dma_start3A_1089 = tpu.memref_squeeze %dma_start3A_1088 : memref<1x1x128x32xf32, #tpu.memory_space<vmem>> -> memref<128x32xf32, #tpu.memory_space<vmem>>
      %dma_start3A_1090 = arith.constant 0 : i32
      %dma_start3A_1091 = tpu.memref_slice %arg4[%add3A_1082, %mul3A_1084, %dma_start3A_1090] : memref<200x16384x32xf32, #tpu.memory_space<hbm>> -> memref<1x128x32xf32, #tpu.memory_space<hbm>>
      %dma_start3A_1092 = tpu.memref_squeeze %dma_start3A_1091 : memref<1x128x32xf32, #tpu.memory_space<hbm>> -> memref<128x32xf32, #tpu.memory_space<hbm>>
      %dma_start3A_1093 = tpu.memref_slice %arg9[%select_n3A_562] : memref<2x!tpu.dma_semaphore, #tpu.memory_space<semaphore_mem>> -> memref<1x!tpu.dma_semaphore, #tpu.memory_space<semaphore_mem>>
      %dma_start3A_1094 = tpu.memref_squeeze %dma_start3A_1093 : memref<1x!tpu.dma_semaphore, #tpu.memory_space<semaphore_mem>> -> memref<!tpu.dma_semaphore, #tpu.memory_space<semaphore_mem>>
      %dma_start3A_1095 = arith.constant 0 : i32
      %dma_start3A_1096 = tpu.memref_slice %arg4[%add3A_1082, %mul3A_1084, %dma_start3A_1095] : memref<200x16384x32xf32, #tpu.memory_space<hbm>> -> memref<1x128x32xf32, #tpu.memory_space<hbm>>
      %dma_start3A_1097 = tpu.memref_squeeze %dma_start3A_1096 : memref<1x128x32xf32, #tpu.memory_space<hbm>> -> memref<128x32xf32, #tpu.memory_space<hbm>>
      %dma_start3A_1098 = arith.constant 0 : i32
      %dma_start3A_1099 = arith.constant 0 : i32
      %dma_start3A_1100 = tpu.memref_slice %arg6[%select_n3A_562, %dma_start3A_1085, %dma_start3A_1098, %dma_start3A_1099] : memref<2x8x128x32xf32, #tpu.memory_space<vmem>> -> memref<1x1x128x32xf32, #tpu.memory_space<vmem>>
      %dma_start3A_1101 = tpu.memref_squeeze %dma_start3A_1100 : memref<1x1x128x32xf32, #tpu.memory_space<vmem>> -> memref<128x32xf32, #tpu.memory_space<vmem>>
      tpu.enqueue_dma source(%dma_start3A_1101 : memref<128x32xf32, #tpu.memory_space<vmem>>) target(%dma_start3A_1097 : memref<128x32xf32, #tpu.memory_space<hbm>>) target_semaphore(%dma_start3A_1094 : memref<!tpu.dma_semaphore, #tpu.memory_space<semaphore_mem>>)
    }
    %scan3A_58 = arith.constant 100 : i32
    %mul3A_59 = arith.constant 100 : i32
    %mul3A_60 = arith.muli %add3A, %mul3A_59 : i32
    %add3A_61 = arith.constant 98 : i32
    %add3A_62 = arith.addi %mul3A_60, %add3A_61 : i32
    %jit3A_63 = arith.constant 128 : i32
    %div3A_64 = arith.divsi %add3A_62, %jit3A_63 : i32
    %sign3A_65 = arith.constant 0 : i32
    %sign3A_66 = arith.cmpi sgt, %add3A_62, %sign3A_65 : i32
    %sign3A_67 = arith.extui %sign3A_66 : i1 to i32
    %sign3A_68 = arith.constant 0 : i32
    %sign3A_69 = arith.cmpi slt, %add3A_62, %sign3A_68 : i32
    %sign3A_70 = arith.extui %sign3A_69 : i1 to i32
    %sign3A_71 = arith.subi %sign3A_67, %sign3A_70 : i32
    %sign3A_72 = arith.constant 0 : i32
    %sign3A_73 = arith.cmpi sgt, %jit3A_63, %sign3A_72 : i32
    %sign3A_74 = arith.extui %sign3A_73 : i1 to i32
    %sign3A_75 = arith.constant 0 : i32
    %sign3A_76 = arith.cmpi slt, %jit3A_63, %sign3A_75 : i32
    %sign3A_77 = arith.extui %sign3A_76 : i1 to i32
    %sign3A_78 = arith.subi %sign3A_74, %sign3A_77 : i32
    %ne3A_79 = arith.cmpi ne, %sign3A_71, %sign3A_78 : i32
    %rem3A_80 = arith.remsi %add3A_62, %jit3A_63 : i32
    %ne3A_81 = arith.constant 0 : i32
    %ne3A_82 = arith.cmpi ne, %rem3A_80, %ne3A_81 : i32
    %and3A_83 = arith.andi %ne3A_79, %ne3A_82 : i1
    %sub3A_84 = arith.constant 1 : i32
    %sub3A_85 = arith.subi %div3A_64, %sub3A_84 : i32
    %select_n3A_86 = arith.select %and3A_83, %sub3A_85, %div3A_64 : i32
    %jit3A_87 = arith.constant 128 : i32
    %eq3A_88 = arith.constant 0 : i32
    %eq3A_89 = arith.cmpi eq, %jit3A_87, %eq3A_88 : i32
    %jit3A_90 = arith.constant 1 : i32
    %select_n3A_91 = arith.select %eq3A_89, %jit3A_90, %jit3A_87 : i32
    %rem3A_92 = arith.remsi %add3A_62, %select_n3A_91 : i32
    %ne3A_93 = arith.constant 0 : i32
    %ne3A_94 = arith.cmpi ne, %rem3A_92, %ne3A_93 : i32
    %lt3A_95 = arith.constant 0 : i32
    %lt3A_96 = arith.cmpi slt, %rem3A_92, %lt3A_95 : i32
    %lt3A_97 = arith.constant 0 : i32
    %lt3A_98 = arith.cmpi slt, %select_n3A_91, %lt3A_97 : i32
    %ne3A_99 = arith.xori %lt3A_96, %lt3A_98 : i1
    %and3A_100 = arith.andi %ne3A_99, %ne3A_94 : i1
    %add3A_101 = arith.addi %rem3A_92, %select_n3A_91 : i32
    %select_n3A_102 = arith.select %and3A_100, %add3A_101, %rem3A_92 : i32
    %mul3A_103 = arith.constant 8 : i32
    %mul3A_104 = arith.muli %mul3A_103, %select_n3A_86 : i32
    %add3A_105 = arith.constant 0 : i32
    %add3A_106 = arith.addi %mul3A_104, %add3A_105 : i32
    %mul3A_107 = arith.constant 128 : i32
    %mul3A_108 = arith.muli %select_n3A_102, %mul3A_107 : i32
    %dma_wait3A = arith.constant 0 : i32
    %dma_wait3A_109 = arith.constant 0 : i32
    %dma_wait3A_110 = arith.constant 0 : i32
    %dma_wait3A_111 = arith.constant 0 : i32
    %dma_wait3A_112 = arith.constant 0 : i32
    %dma_wait3A_113 = tpu.memref_slice %arg6[%dma_wait3A, %dma_wait3A_109, %dma_wait3A_111, %dma_wait3A_112] : memref<2x8x128x32xf32, #tpu.memory_space<vmem>> -> memref<1x1x128x32xf32, #tpu.memory_space<vmem>>
    %dma_wait3A_114 = tpu.memref_squeeze %dma_wait3A_113 : memref<1x1x128x32xf32, #tpu.memory_space<vmem>> -> memref<128x32xf32, #tpu.memory_space<vmem>>
    %dma_wait3A_115 = arith.constant 0 : i32
    %dma_wait3A_116 = tpu.memref_slice %arg4[%add3A_106, %mul3A_108, %dma_wait3A_115] : memref<200x16384x32xf32, #tpu.memory_space<hbm>> -> memref<1x128x32xf32, #tpu.memory_space<hbm>>
    %dma_wait3A_117 = tpu.memref_squeeze %dma_wait3A_116 : memref<1x128x32xf32, #tpu.memory_space<hbm>> -> memref<128x32xf32, #tpu.memory_space<hbm>>
    %dma_wait3A_118 = tpu.memref_slice %arg9[%dma_wait3A_110] : memref<2x!tpu.dma_semaphore, #tpu.memory_space<semaphore_mem>> -> memref<1x!tpu.dma_semaphore, #tpu.memory_space<semaphore_mem>>
    %dma_wait3A_119 = tpu.memref_squeeze %dma_wait3A_118 : memref<1x!tpu.dma_semaphore, #tpu.memory_space<semaphore_mem>> -> memref<!tpu.dma_semaphore, #tpu.memory_space<semaphore_mem>>
    %dma_wait3A_120 = arith.constant 0 : i32
    %dma_wait3A_121 = tpu.memref_slice %arg4[%add3A_106, %mul3A_108, %dma_wait3A_120] : memref<200x16384x32xf32, #tpu.memory_space<hbm>> -> memref<1x128x32xf32, #tpu.memory_space<hbm>>
    %dma_wait3A_122 = tpu.memref_squeeze %dma_wait3A_121 : memref<1x128x32xf32, #tpu.memory_space<hbm>> -> memref<128x32xf32, #tpu.memory_space<hbm>>
    %dma_wait3A_123 = arith.constant 0 : i32
    %dma_wait3A_124 = arith.constant 0 : i32
    %dma_wait3A_125 = tpu.memref_slice %arg6[%dma_wait3A, %dma_wait3A_109, %dma_wait3A_123, %dma_wait3A_124] : memref<2x8x128x32xf32, #tpu.memory_space<vmem>> -> memref<1x1x128x32xf32, #tpu.memory_space<vmem>>
    %dma_wait3A_126 = tpu.memref_squeeze %dma_wait3A_125 : memref<1x1x128x32xf32, #tpu.memory_space<vmem>> -> memref<128x32xf32, #tpu.memory_space<vmem>>
    tpu.wait_dma2 semaphore(%dma_wait3A_119 : memref<!tpu.dma_semaphore, #tpu.memory_space<semaphore_mem>>) src(%dma_wait3A_126 : memref<128x32xf32, #tpu.memory_space<vmem>>) dst(%dma_wait3A_122 : memref<128x32xf32, #tpu.memory_space<hbm>>)
    %mul3A_127 = arith.constant 8 : i32
    %mul3A_128 = arith.muli %mul3A_127, %select_n3A_86 : i32
    %add3A_129 = arith.constant 1 : i32
    %add3A_130 = arith.addi %mul3A_128, %add3A_129 : i32
    %mul3A_131 = arith.constant 128 : i32
    %mul3A_132 = arith.muli %select_n3A_102, %mul3A_131 : i32
    %dma_wait3A_133 = arith.constant 0 : i32
    %dma_wait3A_134 = arith.constant 1 : i32
    %dma_wait3A_135 = arith.constant 0 : i32
    %dma_wait3A_136 = arith.constant 0 : i32
    %dma_wait3A_137 = arith.constant 0 : i32
    %dma_wait3A_138 = tpu.memref_slice %arg6[%dma_wait3A_133, %dma_wait3A_134, %dma_wait3A_136, %dma_wait3A_137] : memref<2x8x128x32xf32, #tpu.memory_space<vmem>> -> memref<1x1x128x32xf32, #tpu.memory_space<vmem>>
    %dma_wait3A_139 = tpu.memref_squeeze %dma_wait3A_138 : memref<1x1x128x32xf32, #tpu.memory_space<vmem>> -> memref<128x32xf32, #tpu.memory_space<vmem>>
    %dma_wait3A_140 = arith.constant 0 : i32
    %dma_wait3A_141 = tpu.memref_slice %arg4[%add3A_130, %mul3A_132, %dma_wait3A_140] : memref<200x16384x32xf32, #tpu.memory_space<hbm>> -> memref<1x128x32xf32, #tpu.memory_space<hbm>>
    %dma_wait3A_142 = tpu.memref_squeeze %dma_wait3A_141 : memref<1x128x32xf32, #tpu.memory_space<hbm>> -> memref<128x32xf32, #tpu.memory_space<hbm>>
    %dma_wait3A_143 = tpu.memref_slice %arg9[%dma_wait3A_135] : memref<2x!tpu.dma_semaphore, #tpu.memory_space<semaphore_mem>> -> memref<1x!tpu.dma_semaphore, #tpu.memory_space<semaphore_mem>>
    %dma_wait3A_144 = tpu.memref_squeeze %dma_wait3A_143 : memref<1x!tpu.dma_semaphore, #tpu.memory_space<semaphore_mem>> -> memref<!tpu.dma_semaphore, #tpu.memory_space<semaphore_mem>>
    %dma_wait3A_145 = arith.constant 0 : i32
    %dma_wait3A_146 = tpu.memref_slice %arg4[%add3A_130, %mul3A_132, %dma_wait3A_145] : memref<200x16384x32xf32, #tpu.memory_space<hbm>> -> memref<1x128x32xf32, #tpu.memory_space<hbm>>
    %dma_wait3A_147 = tpu.memref_squeeze %dma_wait3A_146 : memref<1x128x32xf32, #tpu.memory_space<hbm>> -> memref<128x32xf32, #tpu.memory_space<hbm>>
    %dma_wait3A_148 = arith.constant 0 : i32
    %dma_wait3A_149 = arith.constant 0 : i32
    %dma_wait3A_150 = tpu.memref_slice %arg6[%dma_wait3A_133, %dma_wait3A_134, %dma_wait3A_148, %dma_wait3A_149] : memref<2x8x128x32xf32, #tpu.memory_space<vmem>> -> memref<1x1x128x32xf32, #tpu.memory_space<vmem>>
    %dma_wait3A_151 = tpu.memref_squeeze %dma_wait3A_150 : memref<1x1x128x32xf32, #tpu.memory_space<vmem>> -> memref<128x32xf32, #tpu.memory_space<vmem>>
    tpu.wait_dma2 semaphore(%dma_wait3A_144 : memref<!tpu.dma_semaphore, #tpu.memory_space<semaphore_mem>>) src(%dma_wait3A_151 : memref<128x32xf32, #tpu.memory_space<vmem>>) dst(%dma_wait3A_147 : memref<128x32xf32, #tpu.memory_space<hbm>>)
    %mul3A_152 = arith.constant 8 : i32
    %mul3A_153 = arith.muli %mul3A_152, %select_n3A_86 : i32
    %add3A_154 = arith.constant 2 : i32
    %add3A_155 = arith.addi %mul3A_153, %add3A_154 : i32
    %mul3A_156 = arith.constant 128 : i32
    %mul3A_157 = arith.muli %select_n3A_102, %mul3A_156 : i32
    %dma_wait3A_158 = arith.constant 0 : i32
    %dma_wait3A_159 = arith.constant 2 : i32
    %dma_wait3A_160 = arith.constant 0 : i32
    %dma_wait3A_161 = arith.constant 0 : i32
    %dma_wait3A_162 = arith.constant 0 : i32
    %dma_wait3A_163 = tpu.memref_slice %arg6[%dma_wait3A_158, %dma_wait3A_159, %dma_wait3A_161, %dma_wait3A_162] : memref<2x8x128x32xf32, #tpu.memory_space<vmem>> -> memref<1x1x128x32xf32, #tpu.memory_space<vmem>>
    %dma_wait3A_164 = tpu.memref_squeeze %dma_wait3A_163 : memref<1x1x128x32xf32, #tpu.memory_space<vmem>> -> memref<128x32xf32, #tpu.memory_space<vmem>>
    %dma_wait3A_165 = arith.constant 0 : i32
    %dma_wait3A_166 = tpu.memref_slice %arg4[%add3A_155, %mul3A_157, %dma_wait3A_165] : memref<200x16384x32xf32, #tpu.memory_space<hbm>> -> memref<1x128x32xf32, #tpu.memory_space<hbm>>
    %dma_wait3A_167 = tpu.memref_squeeze %dma_wait3A_166 : memref<1x128x32xf32, #tpu.memory_space<hbm>> -> memref<128x32xf32, #tpu.memory_space<hbm>>
    %dma_wait3A_168 = tpu.memref_slice %arg9[%dma_wait3A_160] : memref<2x!tpu.dma_semaphore, #tpu.memory_space<semaphore_mem>> -> memref<1x!tpu.dma_semaphore, #tpu.memory_space<semaphore_mem>>
    %dma_wait3A_169 = tpu.memref_squeeze %dma_wait3A_168 : memref<1x!tpu.dma_semaphore, #tpu.memory_space<semaphore_mem>> -> memref<!tpu.dma_semaphore, #tpu.memory_space<semaphore_mem>>
    %dma_wait3A_170 = arith.constant 0 : i32
    %dma_wait3A_171 = tpu.memref_slice %arg4[%add3A_155, %mul3A_157, %dma_wait3A_170] : memref<200x16384x32xf32, #tpu.memory_space<hbm>> -> memref<1x128x32xf32, #tpu.memory_space<hbm>>
    %dma_wait3A_172 = tpu.memref_squeeze %dma_wait3A_171 : memref<1x128x32xf32, #tpu.memory_space<hbm>> -> memref<128x32xf32, #tpu.memory_space<hbm>>
    %dma_wait3A_173 = arith.constant 0 : i32
    %dma_wait3A_174 = arith.constant 0 : i32
    %dma_wait3A_175 = tpu.memref_slice %arg6[%dma_wait3A_158, %dma_wait3A_159, %dma_wait3A_173, %dma_wait3A_174] : memref<2x8x128x32xf32, #tpu.memory_space<vmem>> -> memref<1x1x128x32xf32, #tpu.memory_space<vmem>>
    %dma_wait3A_176 = tpu.memref_squeeze %dma_wait3A_175 : memref<1x1x128x32xf32, #tpu.memory_space<vmem>> -> memref<128x32xf32, #tpu.memory_space<vmem>>
    tpu.wait_dma2 semaphore(%dma_wait3A_169 : memref<!tpu.dma_semaphore, #tpu.memory_space<semaphore_mem>>) src(%dma_wait3A_176 : memref<128x32xf32, #tpu.memory_space<vmem>>) dst(%dma_wait3A_172 : memref<128x32xf32, #tpu.memory_space<hbm>>)
    %mul3A_177 = arith.constant 8 : i32
    %mul3A_178 = arith.muli %mul3A_177, %select_n3A_86 : i32
    %add3A_179 = arith.constant 3 : i32
    %add3A_180 = arith.addi %mul3A_178, %add3A_179 : i32
    %mul3A_181 = arith.constant 128 : i32
    %mul3A_182 = arith.muli %select_n3A_102, %mul3A_181 : i32
    %dma_wait3A_183 = arith.constant 0 : i32
    %dma_wait3A_184 = arith.constant 3 : i32
    %dma_wait3A_185 = arith.constant 0 : i32
    %dma_wait3A_186 = arith.constant 0 : i32
    %dma_wait3A_187 = arith.constant 0 : i32
    %dma_wait3A_188 = tpu.memref_slice %arg6[%dma_wait3A_183, %dma_wait3A_184, %dma_wait3A_186, %dma_wait3A_187] : memref<2x8x128x32xf32, #tpu.memory_space<vmem>> -> memref<1x1x128x32xf32, #tpu.memory_space<vmem>>
    %dma_wait3A_189 = tpu.memref_squeeze %dma_wait3A_188 : memref<1x1x128x32xf32, #tpu.memory_space<vmem>> -> memref<128x32xf32, #tpu.memory_space<vmem>>
    %dma_wait3A_190 = arith.constant 0 : i32
    %dma_wait3A_191 = tpu.memref_slice %arg4[%add3A_180, %mul3A_182, %dma_wait3A_190] : memref<200x16384x32xf32, #tpu.memory_space<hbm>> -> memref<1x128x32xf32, #tpu.memory_space<hbm>>
    %dma_wait3A_192 = tpu.memref_squeeze %dma_wait3A_191 : memref<1x128x32xf32, #tpu.memory_space<hbm>> -> memref<128x32xf32, #tpu.memory_space<hbm>>
    %dma_wait3A_193 = tpu.memref_slice %arg9[%dma_wait3A_185] : memref<2x!tpu.dma_semaphore, #tpu.memory_space<semaphore_mem>> -> memref<1x!tpu.dma_semaphore, #tpu.memory_space<semaphore_mem>>
    %dma_wait3A_194 = tpu.memref_squeeze %dma_wait3A_193 : memref<1x!tpu.dma_semaphore, #tpu.memory_space<semaphore_mem>> -> memref<!tpu.dma_semaphore, #tpu.memory_space<semaphore_mem>>
    %dma_wait3A_195 = arith.constant 0 : i32
    %dma_wait3A_196 = tpu.memref_slice %arg4[%add3A_180, %mul3A_182, %dma_wait3A_195] : memref<200x16384x32xf32, #tpu.memory_space<hbm>> -> memref<1x128x32xf32, #tpu.memory_space<hbm>>
    %dma_wait3A_197 = tpu.memref_squeeze %dma_wait3A_196 : memref<1x128x32xf32, #tpu.memory_space<hbm>> -> memref<128x32xf32, #tpu.memory_space<hbm>>
    %dma_wait3A_198 = arith.constant 0 : i32
    %dma_wait3A_199 = arith.constant 0 : i32
    %dma_wait3A_200 = tpu.memref_slice %arg6[%dma_wait3A_183, %dma_wait3A_184, %dma_wait3A_198, %dma_wait3A_199] : memref<2x8x128x32xf32, #tpu.memory_space<vmem>> -> memref<1x1x128x32xf32, #tpu.memory_space<vmem>>
    %dma_wait3A_201 = tpu.memref_squeeze %dma_wait3A_200 : memref<1x1x128x32xf32, #tpu.memory_space<vmem>> -> memref<128x32xf32, #tpu.memory_space<vmem>>
    tpu.wait_dma2 semaphore(%dma_wait3A_194 : memref<!tpu.dma_semaphore, #tpu.memory_space<semaphore_mem>>) src(%dma_wait3A_201 : memref<128x32xf32, #tpu.memory_space<vmem>>) dst(%dma_wait3A_197 : memref<128x32xf32, #tpu.memory_space<hbm>>)
    %mul3A_202 = arith.constant 8 : i32
    %mul3A_203 = arith.muli %mul3A_202, %select_n3A_86 : i32
    %add3A_204 = arith.constant 4 : i32
    %add3A_205 = arith.addi %mul3A_203, %add3A_204 : i32
    %mul3A_206 = arith.constant 128 : i32
    %mul3A_207 = arith.muli %select_n3A_102, %mul3A_206 : i32
    %dma_wait3A_208 = arith.constant 0 : i32
    %dma_wait3A_209 = arith.constant 4 : i32
    %dma_wait3A_210 = arith.constant 0 : i32
    %dma_wait3A_211 = arith.constant 0 : i32
    %dma_wait3A_212 = arith.constant 0 : i32
    %dma_wait3A_213 = tpu.memref_slice %arg6[%dma_wait3A_208, %dma_wait3A_209, %dma_wait3A_211, %dma_wait3A_212] : memref<2x8x128x32xf32, #tpu.memory_space<vmem>> -> memref<1x1x128x32xf32, #tpu.memory_space<vmem>>
    %dma_wait3A_214 = tpu.memref_squeeze %dma_wait3A_213 : memref<1x1x128x32xf32, #tpu.memory_space<vmem>> -> memref<128x32xf32, #tpu.memory_space<vmem>>
    %dma_wait3A_215 = arith.constant 0 : i32
    %dma_wait3A_216 = tpu.memref_slice %arg4[%add3A_205, %mul3A_207, %dma_wait3A_215] : memref<200x16384x32xf32, #tpu.memory_space<hbm>> -> memref<1x128x32xf32, #tpu.memory_space<hbm>>
    %dma_wait3A_217 = tpu.memref_squeeze %dma_wait3A_216 : memref<1x128x32xf32, #tpu.memory_space<hbm>> -> memref<128x32xf32, #tpu.memory_space<hbm>>
    %dma_wait3A_218 = tpu.memref_slice %arg9[%dma_wait3A_210] : memref<2x!tpu.dma_semaphore, #tpu.memory_space<semaphore_mem>> -> memref<1x!tpu.dma_semaphore, #tpu.memory_space<semaphore_mem>>
    %dma_wait3A_219 = tpu.memref_squeeze %dma_wait3A_218 : memref<1x!tpu.dma_semaphore, #tpu.memory_space<semaphore_mem>> -> memref<!tpu.dma_semaphore, #tpu.memory_space<semaphore_mem>>
    %dma_wait3A_220 = arith.constant 0 : i32
    %dma_wait3A_221 = tpu.memref_slice %arg4[%add3A_205, %mul3A_207, %dma_wait3A_220] : memref<200x16384x32xf32, #tpu.memory_space<hbm>> -> memref<1x128x32xf32, #tpu.memory_space<hbm>>
    %dma_wait3A_222 = tpu.memref_squeeze %dma_wait3A_221 : memref<1x128x32xf32, #tpu.memory_space<hbm>> -> memref<128x32xf32, #tpu.memory_space<hbm>>
    %dma_wait3A_223 = arith.constant 0 : i32
    %dma_wait3A_224 = arith.constant 0 : i32
    %dma_wait3A_225 = tpu.memref_slice %arg6[%dma_wait3A_208, %dma_wait3A_209, %dma_wait3A_223, %dma_wait3A_224] : memref<2x8x128x32xf32, #tpu.memory_space<vmem>> -> memref<1x1x128x32xf32, #tpu.memory_space<vmem>>
    %dma_wait3A_226 = tpu.memref_squeeze %dma_wait3A_225 : memref<1x1x128x32xf32, #tpu.memory_space<vmem>> -> memref<128x32xf32, #tpu.memory_space<vmem>>
    tpu.wait_dma2 semaphore(%dma_wait3A_219 : memref<!tpu.dma_semaphore, #tpu.memory_space<semaphore_mem>>) src(%dma_wait3A_226 : memref<128x32xf32, #tpu.memory_space<vmem>>) dst(%dma_wait3A_222 : memref<128x32xf32, #tpu.memory_space<hbm>>)
    %mul3A_227 = arith.constant 8 : i32
    %mul3A_228 = arith.muli %mul3A_227, %select_n3A_86 : i32
    %add3A_229 = arith.constant 5 : i32
    %add3A_230 = arith.addi %mul3A_228, %add3A_229 : i32
    %mul3A_231 = arith.constant 128 : i32
    %mul3A_232 = arith.muli %select_n3A_102, %mul3A_231 : i32
    %dma_wait3A_233 = arith.constant 0 : i32
    %dma_wait3A_234 = arith.constant 5 : i32
    %dma_wait3A_235 = arith.constant 0 : i32
    %dma_wait3A_236 = arith.constant 0 : i32
    %dma_wait3A_237 = arith.constant 0 : i32
    %dma_wait3A_238 = tpu.memref_slice %arg6[%dma_wait3A_233, %dma_wait3A_234, %dma_wait3A_236, %dma_wait3A_237] : memref<2x8x128x32xf32, #tpu.memory_space<vmem>> -> memref<1x1x128x32xf32, #tpu.memory_space<vmem>>
    %dma_wait3A_239 = tpu.memref_squeeze %dma_wait3A_238 : memref<1x1x128x32xf32, #tpu.memory_space<vmem>> -> memref<128x32xf32, #tpu.memory_space<vmem>>
    %dma_wait3A_240 = arith.constant 0 : i32
    %dma_wait3A_241 = tpu.memref_slice %arg4[%add3A_230, %mul3A_232, %dma_wait3A_240] : memref<200x16384x32xf32, #tpu.memory_space<hbm>> -> memref<1x128x32xf32, #tpu.memory_space<hbm>>
    %dma_wait3A_242 = tpu.memref_squeeze %dma_wait3A_241 : memref<1x128x32xf32, #tpu.memory_space<hbm>> -> memref<128x32xf32, #tpu.memory_space<hbm>>
    %dma_wait3A_243 = tpu.memref_slice %arg9[%dma_wait3A_235] : memref<2x!tpu.dma_semaphore, #tpu.memory_space<semaphore_mem>> -> memref<1x!tpu.dma_semaphore, #tpu.memory_space<semaphore_mem>>
    %dma_wait3A_244 = tpu.memref_squeeze %dma_wait3A_243 : memref<1x!tpu.dma_semaphore, #tpu.memory_space<semaphore_mem>> -> memref<!tpu.dma_semaphore, #tpu.memory_space<semaphore_mem>>
    %dma_wait3A_245 = arith.constant 0 : i32
    %dma_wait3A_246 = tpu.memref_slice %arg4[%add3A_230, %mul3A_232, %dma_wait3A_245] : memref<200x16384x32xf32, #tpu.memory_space<hbm>> -> memref<1x128x32xf32, #tpu.memory_space<hbm>>
    %dma_wait3A_247 = tpu.memref_squeeze %dma_wait3A_246 : memref<1x128x32xf32, #tpu.memory_space<hbm>> -> memref<128x32xf32, #tpu.memory_space<hbm>>
    %dma_wait3A_248 = arith.constant 0 : i32
    %dma_wait3A_249 = arith.constant 0 : i32
    %dma_wait3A_250 = tpu.memref_slice %arg6[%dma_wait3A_233, %dma_wait3A_234, %dma_wait3A_248, %dma_wait3A_249] : memref<2x8x128x32xf32, #tpu.memory_space<vmem>> -> memref<1x1x128x32xf32, #tpu.memory_space<vmem>>
    %dma_wait3A_251 = tpu.memref_squeeze %dma_wait3A_250 : memref<1x1x128x32xf32, #tpu.memory_space<vmem>> -> memref<128x32xf32, #tpu.memory_space<vmem>>
    tpu.wait_dma2 semaphore(%dma_wait3A_244 : memref<!tpu.dma_semaphore, #tpu.memory_space<semaphore_mem>>) src(%dma_wait3A_251 : memref<128x32xf32, #tpu.memory_space<vmem>>) dst(%dma_wait3A_247 : memref<128x32xf32, #tpu.memory_space<hbm>>)
    %mul3A_252 = arith.constant 8 : i32
    %mul3A_253 = arith.muli %mul3A_252, %select_n3A_86 : i32
    %add3A_254 = arith.constant 6 : i32
    %add3A_255 = arith.addi %mul3A_253, %add3A_254 : i32
    %mul3A_256 = arith.constant 128 : i32
    %mul3A_257 = arith.muli %select_n3A_102, %mul3A_256 : i32
    %dma_wait3A_258 = arith.constant 0 : i32
    %dma_wait3A_259 = arith.constant 6 : i32
    %dma_wait3A_260 = arith.constant 0 : i32
    %dma_wait3A_261 = arith.constant 0 : i32
    %dma_wait3A_262 = arith.constant 0 : i32
    %dma_wait3A_263 = tpu.memref_slice %arg6[%dma_wait3A_258, %dma_wait3A_259, %dma_wait3A_261, %dma_wait3A_262] : memref<2x8x128x32xf32, #tpu.memory_space<vmem>> -> memref<1x1x128x32xf32, #tpu.memory_space<vmem>>
    %dma_wait3A_264 = tpu.memref_squeeze %dma_wait3A_263 : memref<1x1x128x32xf32, #tpu.memory_space<vmem>> -> memref<128x32xf32, #tpu.memory_space<vmem>>
    %dma_wait3A_265 = arith.constant 0 : i32
    %dma_wait3A_266 = tpu.memref_slice %arg4[%add3A_255, %mul3A_257, %dma_wait3A_265] : memref<200x16384x32xf32, #tpu.memory_space<hbm>> -> memref<1x128x32xf32, #tpu.memory_space<hbm>>
    %dma_wait3A_267 = tpu.memref_squeeze %dma_wait3A_266 : memref<1x128x32xf32, #tpu.memory_space<hbm>> -> memref<128x32xf32, #tpu.memory_space<hbm>>
    %dma_wait3A_268 = tpu.memref_slice %arg9[%dma_wait3A_260] : memref<2x!tpu.dma_semaphore, #tpu.memory_space<semaphore_mem>> -> memref<1x!tpu.dma_semaphore, #tpu.memory_space<semaphore_mem>>
    %dma_wait3A_269 = tpu.memref_squeeze %dma_wait3A_268 : memref<1x!tpu.dma_semaphore, #tpu.memory_space<semaphore_mem>> -> memref<!tpu.dma_semaphore, #tpu.memory_space<semaphore_mem>>
    %dma_wait3A_270 = arith.constant 0 : i32
    %dma_wait3A_271 = tpu.memref_slice %arg4[%add3A_255, %mul3A_257, %dma_wait3A_270] : memref<200x16384x32xf32, #tpu.memory_space<hbm>> -> memref<1x128x32xf32, #tpu.memory_space<hbm>>
    %dma_wait3A_272 = tpu.memref_squeeze %dma_wait3A_271 : memref<1x128x32xf32, #tpu.memory_space<hbm>> -> memref<128x32xf32, #tpu.memory_space<hbm>>
    %dma_wait3A_273 = arith.constant 0 : i32
    %dma_wait3A_274 = arith.constant 0 : i32
    %dma_wait3A_275 = tpu.memref_slice %arg6[%dma_wait3A_258, %dma_wait3A_259, %dma_wait3A_273, %dma_wait3A_274] : memref<2x8x128x32xf32, #tpu.memory_space<vmem>> -> memref<1x1x128x32xf32, #tpu.memory_space<vmem>>
    %dma_wait3A_276 = tpu.memref_squeeze %dma_wait3A_275 : memref<1x1x128x32xf32, #tpu.memory_space<vmem>> -> memref<128x32xf32, #tpu.memory_space<vmem>>
    tpu.wait_dma2 semaphore(%dma_wait3A_269 : memref<!tpu.dma_semaphore, #tpu.memory_space<semaphore_mem>>) src(%dma_wait3A_276 : memref<128x32xf32, #tpu.memory_space<vmem>>) dst(%dma_wait3A_272 : memref<128x32xf32, #tpu.memory_space<hbm>>)
    %mul3A_277 = arith.constant 8 : i32
    %mul3A_278 = arith.muli %mul3A_277, %select_n3A_86 : i32
    %add3A_279 = arith.constant 7 : i32
    %add3A_280 = arith.addi %mul3A_278, %add3A_279 : i32
    %mul3A_281 = arith.constant 128 : i32
    %mul3A_282 = arith.muli %select_n3A_102, %mul3A_281 : i32
    %dma_wait3A_283 = arith.constant 0 : i32
    %dma_wait3A_284 = arith.constant 7 : i32
    %dma_wait3A_285 = arith.constant 0 : i32
    %dma_wait3A_286 = arith.constant 0 : i32
    %dma_wait3A_287 = arith.constant 0 : i32
    %dma_wait3A_288 = tpu.memref_slice %arg6[%dma_wait3A_283, %dma_wait3A_284, %dma_wait3A_286, %dma_wait3A_287] : memref<2x8x128x32xf32, #tpu.memory_space<vmem>> -> memref<1x1x128x32xf32, #tpu.memory_space<vmem>>
    %dma_wait3A_289 = tpu.memref_squeeze %dma_wait3A_288 : memref<1x1x128x32xf32, #tpu.memory_space<vmem>> -> memref<128x32xf32, #tpu.memory_space<vmem>>
    %dma_wait3A_290 = arith.constant 0 : i32
    %dma_wait3A_291 = tpu.memref_slice %arg4[%add3A_280, %mul3A_282, %dma_wait3A_290] : memref<200x16384x32xf32, #tpu.memory_space<hbm>> -> memref<1x128x32xf32, #tpu.memory_space<hbm>>
    %dma_wait3A_292 = tpu.memref_squeeze %dma_wait3A_291 : memref<1x128x32xf32, #tpu.memory_space<hbm>> -> memref<128x32xf32, #tpu.memory_space<hbm>>
    %dma_wait3A_293 = tpu.memref_slice %arg9[%dma_wait3A_285] : memref<2x!tpu.dma_semaphore, #tpu.memory_space<semaphore_mem>> -> memref<1x!tpu.dma_semaphore, #tpu.memory_space<semaphore_mem>>
    %dma_wait3A_294 = tpu.memref_squeeze %dma_wait3A_293 : memref<1x!tpu.dma_semaphore, #tpu.memory_space<semaphore_mem>> -> memref<!tpu.dma_semaphore, #tpu.memory_space<semaphore_mem>>
    %dma_wait3A_295 = arith.constant 0 : i32
    %dma_wait3A_296 = tpu.memref_slice %arg4[%add3A_280, %mul3A_282, %dma_wait3A_295] : memref<200x16384x32xf32, #tpu.memory_space<hbm>> -> memref<1x128x32xf32, #tpu.memory_space<hbm>>
    %dma_wait3A_297 = tpu.memref_squeeze %dma_wait3A_296 : memref<1x128x32xf32, #tpu.memory_space<hbm>> -> memref<128x32xf32, #tpu.memory_space<hbm>>
    %dma_wait3A_298 = arith.constant 0 : i32
    %dma_wait3A_299 = arith.constant 0 : i32
    %dma_wait3A_300 = tpu.memref_slice %arg6[%dma_wait3A_283, %dma_wait3A_284, %dma_wait3A_298, %dma_wait3A_299] : memref<2x8x128x32xf32, #tpu.memory_space<vmem>> -> memref<1x1x128x32xf32, #tpu.memory_space<vmem>>
    %dma_wait3A_301 = tpu.memref_squeeze %dma_wait3A_300 : memref<1x1x128x32xf32, #tpu.memory_space<vmem>> -> memref<128x32xf32, #tpu.memory_space<vmem>>
    tpu.wait_dma2 semaphore(%dma_wait3A_294 : memref<!tpu.dma_semaphore, #tpu.memory_space<semaphore_mem>>) src(%dma_wait3A_301 : memref<128x32xf32, #tpu.memory_space<vmem>>) dst(%dma_wait3A_297 : memref<128x32xf32, #tpu.memory_space<hbm>>)
    %mul3A_302 = arith.constant 100 : i32
    %mul3A_303 = arith.muli %add3A, %mul3A_302 : i32
    %add3A_304 = arith.constant 99 : i32
    %add3A_305 = arith.addi %mul3A_303, %add3A_304 : i32
    %jit3A_306 = arith.constant 128 : i32
    %div3A_307 = arith.divsi %add3A_305, %jit3A_306 : i32
    %sign3A_308 = arith.constant 0 : i32
    %sign3A_309 = arith.cmpi sgt, %add3A_305, %sign3A_308 : i32
    %sign3A_310 = arith.extui %sign3A_309 : i1 to i32
    %sign3A_311 = arith.constant 0 : i32
    %sign3A_312 = arith.cmpi slt, %add3A_305, %sign3A_311 : i32
    %sign3A_313 = arith.extui %sign3A_312 : i1 to i32
    %sign3A_314 = arith.subi %sign3A_310, %sign3A_313 : i32
    %sign3A_315 = arith.constant 0 : i32
    %sign3A_316 = arith.cmpi sgt, %jit3A_306, %sign3A_315 : i32
    %sign3A_317 = arith.extui %sign3A_316 : i1 to i32
    %sign3A_318 = arith.constant 0 : i32
    %sign3A_319 = arith.cmpi slt, %jit3A_306, %sign3A_318 : i32
    %sign3A_320 = arith.extui %sign3A_319 : i1 to i32
    %sign3A_321 = arith.subi %sign3A_317, %sign3A_320 : i32
    %ne3A_322 = arith.cmpi ne, %sign3A_314, %sign3A_321 : i32
    %rem3A_323 = arith.remsi %add3A_305, %jit3A_306 : i32
    %ne3A_324 = arith.constant 0 : i32
    %ne3A_325 = arith.cmpi ne, %rem3A_323, %ne3A_324 : i32
    %and3A_326 = arith.andi %ne3A_322, %ne3A_325 : i1
    %sub3A_327 = arith.constant 1 : i32
    %sub3A_328 = arith.subi %div3A_307, %sub3A_327 : i32
    %select_n3A_329 = arith.select %and3A_326, %sub3A_328, %div3A_307 : i32
    %jit3A_330 = arith.constant 128 : i32
    %eq3A_331 = arith.constant 0 : i32
    %eq3A_332 = arith.cmpi eq, %jit3A_330, %eq3A_331 : i32
    %jit3A_333 = arith.constant 1 : i32
    %select_n3A_334 = arith.select %eq3A_332, %jit3A_333, %jit3A_330 : i32
    %rem3A_335 = arith.remsi %add3A_305, %select_n3A_334 : i32
    %ne3A_336 = arith.constant 0 : i32
    %ne3A_337 = arith.cmpi ne, %rem3A_335, %ne3A_336 : i32
    %lt3A_338 = arith.constant 0 : i32
    %lt3A_339 = arith.cmpi slt, %rem3A_335, %lt3A_338 : i32
    %lt3A_340 = arith.constant 0 : i32
    %lt3A_341 = arith.cmpi slt, %select_n3A_334, %lt3A_340 : i32
    %ne3A_342 = arith.xori %lt3A_339, %lt3A_341 : i1
    %and3A_343 = arith.andi %ne3A_342, %ne3A_337 : i1
    %add3A_344 = arith.addi %rem3A_335, %select_n3A_334 : i32
    %select_n3A_345 = arith.select %and3A_343, %add3A_344, %rem3A_335 : i32
    %mul3A_346 = arith.constant 8 : i32
    %mul3A_347 = arith.muli %mul3A_346, %select_n3A_329 : i32
    %add3A_348 = arith.constant 0 : i32
    %add3A_349 = arith.addi %mul3A_347, %add3A_348 : i32
    %mul3A_350 = arith.constant 128 : i32
    %mul3A_351 = arith.muli %select_n3A_345, %mul3A_350 : i32
    %dma_wait3A_352 = arith.constant 1 : i32
    %dma_wait3A_353 = arith.constant 0 : i32
    %dma_wait3A_354 = arith.constant 1 : i32
    %dma_wait3A_355 = arith.constant 0 : i32
    %dma_wait3A_356 = arith.constant 0 : i32
    %dma_wait3A_357 = tpu.memref_slice %arg6[%dma_wait3A_352, %dma_wait3A_353, %dma_wait3A_355, %dma_wait3A_356] : memref<2x8x128x32xf32, #tpu.memory_space<vmem>> -> memref<1x1x128x32xf32, #tpu.memory_space<vmem>>
    %dma_wait3A_358 = tpu.memref_squeeze %dma_wait3A_357 : memref<1x1x128x32xf32, #tpu.memory_space<vmem>> -> memref<128x32xf32, #tpu.memory_space<vmem>>
    %dma_wait3A_359 = arith.constant 0 : i32
    %dma_wait3A_360 = tpu.memref_slice %arg4[%add3A_349, %mul3A_351, %dma_wait3A_359] : memref<200x16384x32xf32, #tpu.memory_space<hbm>> -> memref<1x128x32xf32, #tpu.memory_space<hbm>>
    %dma_wait3A_361 = tpu.memref_squeeze %dma_wait3A_360 : memref<1x128x32xf32, #tpu.memory_space<hbm>> -> memref<128x32xf32, #tpu.memory_space<hbm>>
    %dma_wait3A_362 = tpu.memref_slice %arg9[%dma_wait3A_354] : memref<2x!tpu.dma_semaphore, #tpu.memory_space<semaphore_mem>> -> memref<1x!tpu.dma_semaphore, #tpu.memory_space<semaphore_mem>>
    %dma_wait3A_363 = tpu.memref_squeeze %dma_wait3A_362 : memref<1x!tpu.dma_semaphore, #tpu.memory_space<semaphore_mem>> -> memref<!tpu.dma_semaphore, #tpu.memory_space<semaphore_mem>>
    %dma_wait3A_364 = arith.constant 0 : i32
    %dma_wait3A_365 = tpu.memref_slice %arg4[%add3A_349, %mul3A_351, %dma_wait3A_364] : memref<200x16384x32xf32, #tpu.memory_space<hbm>> -> memref<1x128x32xf32, #tpu.memory_space<hbm>>
    %dma_wait3A_366 = tpu.memref_squeeze %dma_wait3A_365 : memref<1x128x32xf32, #tpu.memory_space<hbm>> -> memref<128x32xf32, #tpu.memory_space<hbm>>
    %dma_wait3A_367 = arith.constant 0 : i32
    %dma_wait3A_368 = arith.constant 0 : i32
    %dma_wait3A_369 = tpu.memref_slice %arg6[%dma_wait3A_352, %dma_wait3A_353, %dma_wait3A_367, %dma_wait3A_368] : memref<2x8x128x32xf32, #tpu.memory_space<vmem>> -> memref<1x1x128x32xf32, #tpu.memory_space<vmem>>
    %dma_wait3A_370 = tpu.memref_squeeze %dma_wait3A_369 : memref<1x1x128x32xf32, #tpu.memory_space<vmem>> -> memref<128x32xf32, #tpu.memory_space<vmem>>
    tpu.wait_dma2 semaphore(%dma_wait3A_363 : memref<!tpu.dma_semaphore, #tpu.memory_space<semaphore_mem>>) src(%dma_wait3A_370 : memref<128x32xf32, #tpu.memory_space<vmem>>) dst(%dma_wait3A_366 : memref<128x32xf32, #tpu.memory_space<hbm>>)
    %mul3A_371 = arith.constant 8 : i32
    %mul3A_372 = arith.muli %mul3A_371, %select_n3A_329 : i32
    %add3A_373 = arith.constant 1 : i32
    %add3A_374 = arith.addi %mul3A_372, %add3A_373 : i32
    %mul3A_375 = arith.constant 128 : i32
    %mul3A_376 = arith.muli %select_n3A_345, %mul3A_375 : i32
    %dma_wait3A_377 = arith.constant 1 : i32
    %dma_wait3A_378 = arith.constant 1 : i32
    %dma_wait3A_379 = arith.constant 1 : i32
    %dma_wait3A_380 = arith.constant 0 : i32
    %dma_wait3A_381 = arith.constant 0 : i32
    %dma_wait3A_382 = tpu.memref_slice %arg6[%dma_wait3A_377, %dma_wait3A_378, %dma_wait3A_380, %dma_wait3A_381] : memref<2x8x128x32xf32, #tpu.memory_space<vmem>> -> memref<1x1x128x32xf32, #tpu.memory_space<vmem>>
    %dma_wait3A_383 = tpu.memref_squeeze %dma_wait3A_382 : memref<1x1x128x32xf32, #tpu.memory_space<vmem>> -> memref<128x32xf32, #tpu.memory_space<vmem>>
    %dma_wait3A_384 = arith.constant 0 : i32
    %dma_wait3A_385 = tpu.memref_slice %arg4[%add3A_374, %mul3A_376, %dma_wait3A_384] : memref<200x16384x32xf32, #tpu.memory_space<hbm>> -> memref<1x128x32xf32, #tpu.memory_space<hbm>>
    %dma_wait3A_386 = tpu.memref_squeeze %dma_wait3A_385 : memref<1x128x32xf32, #tpu.memory_space<hbm>> -> memref<128x32xf32, #tpu.memory_space<hbm>>
    %dma_wait3A_387 = tpu.memref_slice %arg9[%dma_wait3A_379] : memref<2x!tpu.dma_semaphore, #tpu.memory_space<semaphore_mem>> -> memref<1x!tpu.dma_semaphore, #tpu.memory_space<semaphore_mem>>
    %dma_wait3A_388 = tpu.memref_squeeze %dma_wait3A_387 : memref<1x!tpu.dma_semaphore, #tpu.memory_space<semaphore_mem>> -> memref<!tpu.dma_semaphore, #tpu.memory_space<semaphore_mem>>
    %dma_wait3A_389 = arith.constant 0 : i32
    %dma_wait3A_390 = tpu.memref_slice %arg4[%add3A_374, %mul3A_376, %dma_wait3A_389] : memref<200x16384x32xf32, #tpu.memory_space<hbm>> -> memref<1x128x32xf32, #tpu.memory_space<hbm>>
    %dma_wait3A_391 = tpu.memref_squeeze %dma_wait3A_390 : memref<1x128x32xf32, #tpu.memory_space<hbm>> -> memref<128x32xf32, #tpu.memory_space<hbm>>
    %dma_wait3A_392 = arith.constant 0 : i32
    %dma_wait3A_393 = arith.constant 0 : i32
    %dma_wait3A_394 = tpu.memref_slice %arg6[%dma_wait3A_377, %dma_wait3A_378, %dma_wait3A_392, %dma_wait3A_393] : memref<2x8x128x32xf32, #tpu.memory_space<vmem>> -> memref<1x1x128x32xf32, #tpu.memory_space<vmem>>
    %dma_wait3A_395 = tpu.memref_squeeze %dma_wait3A_394 : memref<1x1x128x32xf32, #tpu.memory_space<vmem>> -> memref<128x32xf32, #tpu.memory_space<vmem>>
    tpu.wait_dma2 semaphore(%dma_wait3A_388 : memref<!tpu.dma_semaphore, #tpu.memory_space<semaphore_mem>>) src(%dma_wait3A_395 : memref<128x32xf32, #tpu.memory_space<vmem>>) dst(%dma_wait3A_391 : memref<128x32xf32, #tpu.memory_space<hbm>>)
    %mul3A_396 = arith.constant 8 : i32
    %mul3A_397 = arith.muli %mul3A_396, %select_n3A_329 : i32
    %add3A_398 = arith.constant 2 : i32
    %add3A_399 = arith.addi %mul3A_397, %add3A_398 : i32
    %mul3A_400 = arith.constant 128 : i32
    %mul3A_401 = arith.muli %select_n3A_345, %mul3A_400 : i32
    %dma_wait3A_402 = arith.constant 1 : i32
    %dma_wait3A_403 = arith.constant 2 : i32
    %dma_wait3A_404 = arith.constant 1 : i32
    %dma_wait3A_405 = arith.constant 0 : i32
    %dma_wait3A_406 = arith.constant 0 : i32
    %dma_wait3A_407 = tpu.memref_slice %arg6[%dma_wait3A_402, %dma_wait3A_403, %dma_wait3A_405, %dma_wait3A_406] : memref<2x8x128x32xf32, #tpu.memory_space<vmem>> -> memref<1x1x128x32xf32, #tpu.memory_space<vmem>>
    %dma_wait3A_408 = tpu.memref_squeeze %dma_wait3A_407 : memref<1x1x128x32xf32, #tpu.memory_space<vmem>> -> memref<128x32xf32, #tpu.memory_space<vmem>>
    %dma_wait3A_409 = arith.constant 0 : i32
    %dma_wait3A_410 = tpu.memref_slice %arg4[%add3A_399, %mul3A_401, %dma_wait3A_409] : memref<200x16384x32xf32, #tpu.memory_space<hbm>> -> memref<1x128x32xf32, #tpu.memory_space<hbm>>
    %dma_wait3A_411 = tpu.memref_squeeze %dma_wait3A_410 : memref<1x128x32xf32, #tpu.memory_space<hbm>> -> memref<128x32xf32, #tpu.memory_space<hbm>>
    %dma_wait3A_412 = tpu.memref_slice %arg9[%dma_wait3A_404] : memref<2x!tpu.dma_semaphore, #tpu.memory_space<semaphore_mem>> -> memref<1x!tpu.dma_semaphore, #tpu.memory_space<semaphore_mem>>
    %dma_wait3A_413 = tpu.memref_squeeze %dma_wait3A_412 : memref<1x!tpu.dma_semaphore, #tpu.memory_space<semaphore_mem>> -> memref<!tpu.dma_semaphore, #tpu.memory_space<semaphore_mem>>
    %dma_wait3A_414 = arith.constant 0 : i32
    %dma_wait3A_415 = tpu.memref_slice %arg4[%add3A_399, %mul3A_401, %dma_wait3A_414] : memref<200x16384x32xf32, #tpu.memory_space<hbm>> -> memref<1x128x32xf32, #tpu.memory_space<hbm>>
    %dma_wait3A_416 = tpu.memref_squeeze %dma_wait3A_415 : memref<1x128x32xf32, #tpu.memory_space<hbm>> -> memref<128x32xf32, #tpu.memory_space<hbm>>
    %dma_wait3A_417 = arith.constant 0 : i32
    %dma_wait3A_418 = arith.constant 0 : i32
    %dma_wait3A_419 = tpu.memref_slice %arg6[%dma_wait3A_402, %dma_wait3A_403, %dma_wait3A_417, %dma_wait3A_418] : memref<2x8x128x32xf32, #tpu.memory_space<vmem>> -> memref<1x1x128x32xf32, #tpu.memory_space<vmem>>
    %dma_wait3A_420 = tpu.memref_squeeze %dma_wait3A_419 : memref<1x1x128x32xf32, #tpu.memory_space<vmem>> -> memref<128x32xf32, #tpu.memory_space<vmem>>
    tpu.wait_dma2 semaphore(%dma_wait3A_413 : memref<!tpu.dma_semaphore, #tpu.memory_space<semaphore_mem>>) src(%dma_wait3A_420 : memref<128x32xf32, #tpu.memory_space<vmem>>) dst(%dma_wait3A_416 : memref<128x32xf32, #tpu.memory_space<hbm>>)
    %mul3A_421 = arith.constant 8 : i32
    %mul3A_422 = arith.muli %mul3A_421, %select_n3A_329 : i32
    %add3A_423 = arith.constant 3 : i32
    %add3A_424 = arith.addi %mul3A_422, %add3A_423 : i32
    %mul3A_425 = arith.constant 128 : i32
    %mul3A_426 = arith.muli %select_n3A_345, %mul3A_425 : i32
    %dma_wait3A_427 = arith.constant 1 : i32
    %dma_wait3A_428 = arith.constant 3 : i32
    %dma_wait3A_429 = arith.constant 1 : i32
    %dma_wait3A_430 = arith.constant 0 : i32
    %dma_wait3A_431 = arith.constant 0 : i32
    %dma_wait3A_432 = tpu.memref_slice %arg6[%dma_wait3A_427, %dma_wait3A_428, %dma_wait3A_430, %dma_wait3A_431] : memref<2x8x128x32xf32, #tpu.memory_space<vmem>> -> memref<1x1x128x32xf32, #tpu.memory_space<vmem>>
    %dma_wait3A_433 = tpu.memref_squeeze %dma_wait3A_432 : memref<1x1x128x32xf32, #tpu.memory_space<vmem>> -> memref<128x32xf32, #tpu.memory_space<vmem>>
    %dma_wait3A_434 = arith.constant 0 : i32
    %dma_wait3A_435 = tpu.memref_slice %arg4[%add3A_424, %mul3A_426, %dma_wait3A_434] : memref<200x16384x32xf32, #tpu.memory_space<hbm>> -> memref<1x128x32xf32, #tpu.memory_space<hbm>>
    %dma_wait3A_436 = tpu.memref_squeeze %dma_wait3A_435 : memref<1x128x32xf32, #tpu.memory_space<hbm>> -> memref<128x32xf32, #tpu.memory_space<hbm>>
    %dma_wait3A_437 = tpu.memref_slice %arg9[%dma_wait3A_429] : memref<2x!tpu.dma_semaphore, #tpu.memory_space<semaphore_mem>> -> memref<1x!tpu.dma_semaphore, #tpu.memory_space<semaphore_mem>>
    %dma_wait3A_438 = tpu.memref_squeeze %dma_wait3A_437 : memref<1x!tpu.dma_semaphore, #tpu.memory_space<semaphore_mem>> -> memref<!tpu.dma_semaphore, #tpu.memory_space<semaphore_mem>>
    %dma_wait3A_439 = arith.constant 0 : i32
    %dma_wait3A_440 = tpu.memref_slice %arg4[%add3A_424, %mul3A_426, %dma_wait3A_439] : memref<200x16384x32xf32, #tpu.memory_space<hbm>> -> memref<1x128x32xf32, #tpu.memory_space<hbm>>
    %dma_wait3A_441 = tpu.memref_squeeze %dma_wait3A_440 : memref<1x128x32xf32, #tpu.memory_space<hbm>> -> memref<128x32xf32, #tpu.memory_space<hbm>>
    %dma_wait3A_442 = arith.constant 0 : i32
    %dma_wait3A_443 = arith.constant 0 : i32
    %dma_wait3A_444 = tpu.memref_slice %arg6[%dma_wait3A_427, %dma_wait3A_428, %dma_wait3A_442, %dma_wait3A_443] : memref<2x8x128x32xf32, #tpu.memory_space<vmem>> -> memref<1x1x128x32xf32, #tpu.memory_space<vmem>>
    %dma_wait3A_445 = tpu.memref_squeeze %dma_wait3A_444 : memref<1x1x128x32xf32, #tpu.memory_space<vmem>> -> memref<128x32xf32, #tpu.memory_space<vmem>>
    tpu.wait_dma2 semaphore(%dma_wait3A_438 : memref<!tpu.dma_semaphore, #tpu.memory_space<semaphore_mem>>) src(%dma_wait3A_445 : memref<128x32xf32, #tpu.memory_space<vmem>>) dst(%dma_wait3A_441 : memref<128x32xf32, #tpu.memory_space<hbm>>)
    %mul3A_446 = arith.constant 8 : i32
    %mul3A_447 = arith.muli %mul3A_446, %select_n3A_329 : i32
    %add3A_448 = arith.constant 4 : i32
    %add3A_449 = arith.addi %mul3A_447, %add3A_448 : i32
    %mul3A_450 = arith.constant 128 : i32
    %mul3A_451 = arith.muli %select_n3A_345, %mul3A_450 : i32
    %dma_wait3A_452 = arith.constant 1 : i32
    %dma_wait3A_453 = arith.constant 4 : i32
    %dma_wait3A_454 = arith.constant 1 : i32
    %dma_wait3A_455 = arith.constant 0 : i32
    %dma_wait3A_456 = arith.constant 0 : i32
    %dma_wait3A_457 = tpu.memref_slice %arg6[%dma_wait3A_452, %dma_wait3A_453, %dma_wait3A_455, %dma_wait3A_456] : memref<2x8x128x32xf32, #tpu.memory_space<vmem>> -> memref<1x1x128x32xf32, #tpu.memory_space<vmem>>
    %dma_wait3A_458 = tpu.memref_squeeze %dma_wait3A_457 : memref<1x1x128x32xf32, #tpu.memory_space<vmem>> -> memref<128x32xf32, #tpu.memory_space<vmem>>
    %dma_wait3A_459 = arith.constant 0 : i32
    %dma_wait3A_460 = tpu.memref_slice %arg4[%add3A_449, %mul3A_451, %dma_wait3A_459] : memref<200x16384x32xf32, #tpu.memory_space<hbm>> -> memref<1x128x32xf32, #tpu.memory_space<hbm>>
    %dma_wait3A_461 = tpu.memref_squeeze %dma_wait3A_460 : memref<1x128x32xf32, #tpu.memory_space<hbm>> -> memref<128x32xf32, #tpu.memory_space<hbm>>
    %dma_wait3A_462 = tpu.memref_slice %arg9[%dma_wait3A_454] : memref<2x!tpu.dma_semaphore, #tpu.memory_space<semaphore_mem>> -> memref<1x!tpu.dma_semaphore, #tpu.memory_space<semaphore_mem>>
    %dma_wait3A_463 = tpu.memref_squeeze %dma_wait3A_462 : memref<1x!tpu.dma_semaphore, #tpu.memory_space<semaphore_mem>> -> memref<!tpu.dma_semaphore, #tpu.memory_space<semaphore_mem>>
    %dma_wait3A_464 = arith.constant 0 : i32
    %dma_wait3A_465 = tpu.memref_slice %arg4[%add3A_449, %mul3A_451, %dma_wait3A_464] : memref<200x16384x32xf32, #tpu.memory_space<hbm>> -> memref<1x128x32xf32, #tpu.memory_space<hbm>>
    %dma_wait3A_466 = tpu.memref_squeeze %dma_wait3A_465 : memref<1x128x32xf32, #tpu.memory_space<hbm>> -> memref<128x32xf32, #tpu.memory_space<hbm>>
    %dma_wait3A_467 = arith.constant 0 : i32
    %dma_wait3A_468 = arith.constant 0 : i32
    %dma_wait3A_469 = tpu.memref_slice %arg6[%dma_wait3A_452, %dma_wait3A_453, %dma_wait3A_467, %dma_wait3A_468] : memref<2x8x128x32xf32, #tpu.memory_space<vmem>> -> memref<1x1x128x32xf32, #tpu.memory_space<vmem>>
    %dma_wait3A_470 = tpu.memref_squeeze %dma_wait3A_469 : memref<1x1x128x32xf32, #tpu.memory_space<vmem>> -> memref<128x32xf32, #tpu.memory_space<vmem>>
    tpu.wait_dma2 semaphore(%dma_wait3A_463 : memref<!tpu.dma_semaphore, #tpu.memory_space<semaphore_mem>>) src(%dma_wait3A_470 : memref<128x32xf32, #tpu.memory_space<vmem>>) dst(%dma_wait3A_466 : memref<128x32xf32, #tpu.memory_space<hbm>>)
    %mul3A_471 = arith.constant 8 : i32
    %mul3A_472 = arith.muli %mul3A_471, %select_n3A_329 : i32
    %add3A_473 = arith.constant 5 : i32
    %add3A_474 = arith.addi %mul3A_472, %add3A_473 : i32
    %mul3A_475 = arith.constant 128 : i32
    %mul3A_476 = arith.muli %select_n3A_345, %mul3A_475 : i32
    %dma_wait3A_477 = arith.constant 1 : i32
    %dma_wait3A_478 = arith.constant 5 : i32
    %dma_wait3A_479 = arith.constant 1 : i32
    %dma_wait3A_480 = arith.constant 0 : i32
    %dma_wait3A_481 = arith.constant 0 : i32
    %dma_wait3A_482 = tpu.memref_slice %arg6[%dma_wait3A_477, %dma_wait3A_478, %dma_wait3A_480, %dma_wait3A_481] : memref<2x8x128x32xf32, #tpu.memory_space<vmem>> -> memref<1x1x128x32xf32, #tpu.memory_space<vmem>>
    %dma_wait3A_483 = tpu.memref_squeeze %dma_wait3A_482 : memref<1x1x128x32xf32, #tpu.memory_space<vmem>> -> memref<128x32xf32, #tpu.memory_space<vmem>>
    %dma_wait3A_484 = arith.constant 0 : i32
    %dma_wait3A_485 = tpu.memref_slice %arg4[%add3A_474, %mul3A_476, %dma_wait3A_484] : memref<200x16384x32xf32, #tpu.memory_space<hbm>> -> memref<1x128x32xf32, #tpu.memory_space<hbm>>
    %dma_wait3A_486 = tpu.memref_squeeze %dma_wait3A_485 : memref<1x128x32xf32, #tpu.memory_space<hbm>> -> memref<128x32xf32, #tpu.memory_space<hbm>>
    %dma_wait3A_487 = tpu.memref_slice %arg9[%dma_wait3A_479] : memref<2x!tpu.dma_semaphore, #tpu.memory_space<semaphore_mem>> -> memref<1x!tpu.dma_semaphore, #tpu.memory_space<semaphore_mem>>
    %dma_wait3A_488 = tpu.memref_squeeze %dma_wait3A_487 : memref<1x!tpu.dma_semaphore, #tpu.memory_space<semaphore_mem>> -> memref<!tpu.dma_semaphore, #tpu.memory_space<semaphore_mem>>
    %dma_wait3A_489 = arith.constant 0 : i32
    %dma_wait3A_490 = tpu.memref_slice %arg4[%add3A_474, %mul3A_476, %dma_wait3A_489] : memref<200x16384x32xf32, #tpu.memory_space<hbm>> -> memref<1x128x32xf32, #tpu.memory_space<hbm>>
    %dma_wait3A_491 = tpu.memref_squeeze %dma_wait3A_490 : memref<1x128x32xf32, #tpu.memory_space<hbm>> -> memref<128x32xf32, #tpu.memory_space<hbm>>
    %dma_wait3A_492 = arith.constant 0 : i32
    %dma_wait3A_493 = arith.constant 0 : i32
    %dma_wait3A_494 = tpu.memref_slice %arg6[%dma_wait3A_477, %dma_wait3A_478, %dma_wait3A_492, %dma_wait3A_493] : memref<2x8x128x32xf32, #tpu.memory_space<vmem>> -> memref<1x1x128x32xf32, #tpu.memory_space<vmem>>
    %dma_wait3A_495 = tpu.memref_squeeze %dma_wait3A_494 : memref<1x1x128x32xf32, #tpu.memory_space<vmem>> -> memref<128x32xf32, #tpu.memory_space<vmem>>
    tpu.wait_dma2 semaphore(%dma_wait3A_488 : memref<!tpu.dma_semaphore, #tpu.memory_space<semaphore_mem>>) src(%dma_wait3A_495 : memref<128x32xf32, #tpu.memory_space<vmem>>) dst(%dma_wait3A_491 : memref<128x32xf32, #tpu.memory_space<hbm>>)
    %mul3A_496 = arith.constant 8 : i32
    %mul3A_497 = arith.muli %mul3A_496, %select_n3A_329 : i32
    %add3A_498 = arith.constant 6 : i32
    %add3A_499 = arith.addi %mul3A_497, %add3A_498 : i32
    %mul3A_500 = arith.constant 128 : i32
    %mul3A_501 = arith.muli %select_n3A_345, %mul3A_500 : i32
    %dma_wait3A_502 = arith.constant 1 : i32
    %dma_wait3A_503 = arith.constant 6 : i32
    %dma_wait3A_504 = arith.constant 1 : i32
    %dma_wait3A_505 = arith.constant 0 : i32
    %dma_wait3A_506 = arith.constant 0 : i32
    %dma_wait3A_507 = tpu.memref_slice %arg6[%dma_wait3A_502, %dma_wait3A_503, %dma_wait3A_505, %dma_wait3A_506] : memref<2x8x128x32xf32, #tpu.memory_space<vmem>> -> memref<1x1x128x32xf32, #tpu.memory_space<vmem>>
    %dma_wait3A_508 = tpu.memref_squeeze %dma_wait3A_507 : memref<1x1x128x32xf32, #tpu.memory_space<vmem>> -> memref<128x32xf32, #tpu.memory_space<vmem>>
    %dma_wait3A_509 = arith.constant 0 : i32
    %dma_wait3A_510 = tpu.memref_slice %arg4[%add3A_499, %mul3A_501, %dma_wait3A_509] : memref<200x16384x32xf32, #tpu.memory_space<hbm>> -> memref<1x128x32xf32, #tpu.memory_space<hbm>>
    %dma_wait3A_511 = tpu.memref_squeeze %dma_wait3A_510 : memref<1x128x32xf32, #tpu.memory_space<hbm>> -> memref<128x32xf32, #tpu.memory_space<hbm>>
    %dma_wait3A_512 = tpu.memref_slice %arg9[%dma_wait3A_504] : memref<2x!tpu.dma_semaphore, #tpu.memory_space<semaphore_mem>> -> memref<1x!tpu.dma_semaphore, #tpu.memory_space<semaphore_mem>>
    %dma_wait3A_513 = tpu.memref_squeeze %dma_wait3A_512 : memref<1x!tpu.dma_semaphore, #tpu.memory_space<semaphore_mem>> -> memref<!tpu.dma_semaphore, #tpu.memory_space<semaphore_mem>>
    %dma_wait3A_514 = arith.constant 0 : i32
    %dma_wait3A_515 = tpu.memref_slice %arg4[%add3A_499, %mul3A_501, %dma_wait3A_514] : memref<200x16384x32xf32, #tpu.memory_space<hbm>> -> memref<1x128x32xf32, #tpu.memory_space<hbm>>
    %dma_wait3A_516 = tpu.memref_squeeze %dma_wait3A_515 : memref<1x128x32xf32, #tpu.memory_space<hbm>> -> memref<128x32xf32, #tpu.memory_space<hbm>>
    %dma_wait3A_517 = arith.constant 0 : i32
    %dma_wait3A_518 = arith.constant 0 : i32
    %dma_wait3A_519 = tpu.memref_slice %arg6[%dma_wait3A_502, %dma_wait3A_503, %dma_wait3A_517, %dma_wait3A_518] : memref<2x8x128x32xf32, #tpu.memory_space<vmem>> -> memref<1x1x128x32xf32, #tpu.memory_space<vmem>>
    %dma_wait3A_520 = tpu.memref_squeeze %dma_wait3A_519 : memref<1x1x128x32xf32, #tpu.memory_space<vmem>> -> memref<128x32xf32, #tpu.memory_space<vmem>>
    tpu.wait_dma2 semaphore(%dma_wait3A_513 : memref<!tpu.dma_semaphore, #tpu.memory_space<semaphore_mem>>) src(%dma_wait3A_520 : memref<128x32xf32, #tpu.memory_space<vmem>>) dst(%dma_wait3A_516 : memref<128x32xf32, #tpu.memory_space<hbm>>)
    %mul3A_521 = arith.constant 8 : i32
    %mul3A_522 = arith.muli %mul3A_521, %select_n3A_329 : i32
    %add3A_523 = arith.constant 7 : i32
    %add3A_524 = arith.addi %mul3A_522, %add3A_523 : i32
    %mul3A_525 = arith.constant 128 : i32
    %mul3A_526 = arith.muli %select_n3A_345, %mul3A_525 : i32
    %dma_wait3A_527 = arith.constant 1 : i32
    %dma_wait3A_528 = arith.constant 7 : i32
    %dma_wait3A_529 = arith.constant 1 : i32
    %dma_wait3A_530 = arith.constant 0 : i32
    %dma_wait3A_531 = arith.constant 0 : i32
    %dma_wait3A_532 = tpu.memref_slice %arg6[%dma_wait3A_527, %dma_wait3A_528, %dma_wait3A_530, %dma_wait3A_531] : memref<2x8x128x32xf32, #tpu.memory_space<vmem>> -> memref<1x1x128x32xf32, #tpu.memory_space<vmem>>
    %dma_wait3A_533 = tpu.memref_squeeze %dma_wait3A_532 : memref<1x1x128x32xf32, #tpu.memory_space<vmem>> -> memref<128x32xf32, #tpu.memory_space<vmem>>
    %dma_wait3A_534 = arith.constant 0 : i32
    %dma_wait3A_535 = tpu.memref_slice %arg4[%add3A_524, %mul3A_526, %dma_wait3A_534] : memref<200x16384x32xf32, #tpu.memory_space<hbm>> -> memref<1x128x32xf32, #tpu.memory_space<hbm>>
    %dma_wait3A_536 = tpu.memref_squeeze %dma_wait3A_535 : memref<1x128x32xf32, #tpu.memory_space<hbm>> -> memref<128x32xf32, #tpu.memory_space<hbm>>
    %dma_wait3A_537 = tpu.memref_slice %arg9[%dma_wait3A_529] : memref<2x!tpu.dma_semaphore, #tpu.memory_space<semaphore_mem>> -> memref<1x!tpu.dma_semaphore, #tpu.memory_space<semaphore_mem>>
    %dma_wait3A_538 = tpu.memref_squeeze %dma_wait3A_537 : memref<1x!tpu.dma_semaphore, #tpu.memory_space<semaphore_mem>> -> memref<!tpu.dma_semaphore, #tpu.memory_space<semaphore_mem>>
    %dma_wait3A_539 = arith.constant 0 : i32
    %dma_wait3A_540 = tpu.memref_slice %arg4[%add3A_524, %mul3A_526, %dma_wait3A_539] : memref<200x16384x32xf32, #tpu.memory_space<hbm>> -> memref<1x128x32xf32, #tpu.memory_space<hbm>>
    %dma_wait3A_541 = tpu.memref_squeeze %dma_wait3A_540 : memref<1x128x32xf32, #tpu.memory_space<hbm>> -> memref<128x32xf32, #tpu.memory_space<hbm>>
    %dma_wait3A_542 = arith.constant 0 : i32
    %dma_wait3A_543 = arith.constant 0 : i32
    %dma_wait3A_544 = tpu.memref_slice %arg6[%dma_wait3A_527, %dma_wait3A_528, %dma_wait3A_542, %dma_wait3A_543] : memref<2x8x128x32xf32, #tpu.memory_space<vmem>> -> memref<1x1x128x32xf32, #tpu.memory_space<vmem>>
    %dma_wait3A_545 = tpu.memref_squeeze %dma_wait3A_544 : memref<1x1x128x32xf32, #tpu.memory_space<vmem>> -> memref<128x32xf32, #tpu.memory_space<vmem>>
    tpu.wait_dma2 semaphore(%dma_wait3A_538 : memref<!tpu.dma_semaphore, #tpu.memory_space<semaphore_mem>>) src(%dma_wait3A_545 : memref<128x32xf32, #tpu.memory_space<vmem>>) dst(%dma_wait3A_541 : memref<128x32xf32, #tpu.memory_space<hbm>>)
    return
  }
}

</mosaic_0001>

<sc_bundles>
// kernel: kernel.3.cloned.1.call-start
scs
__scs_entry_jumppad:
0x0: {  	(pc) =	sbr.rel $0x88, $3  }
0x1: {  	(tag) =	ssettag $0x0;
	lr =	simm.s32 $0x1  }
0x2: {  	[smem:$0x3F9F] =	sst lr;
	_ =	strace $0xD0000000  }
0x3: {  	_ = 	snop  }
0x4: {  	_ = 	snop  }
0x5: {  	_ = 	snop  }
0x6: {  	_ = 	snop  }
0x7: {  	_ = 	snop  }
__scs_overlays_trampoline_lowered:
0x8: {  	[smem:$0x3FAE] =	sst s0  }
0x9: {  	[smem:$0x3FAF] =	sst s1  }
0xa: {  	[smem:$0x3FB0] =	sst s2  }
0xb: {  	[smem:$0x3FB1] =	sst s3  }
0xc: {  	[smem:$0x3FB2] =	sst s4  }
0xd: {  	[smem:$0x3FB3] =	sst s5  }
0xe: {  	[smem:$0x3FB4] =	sst s6  }
0xf: {  	[smem:$0x3FB5] =	sst s7  }
0x10: {  	[smem:$0x3FB6] =	sst s8  }
0x11: {  	[smem:$0x3FB7] =	sst s9;
	s0 =	simm.s32 @!p0 $0x0  }
0x12: {  	s1 =	sld [smem:$0x3F9D];
	s0 =	simm.s32 @p0 $0x1  }
0x13: {  	[smem:$0x3FB8] =	sst s0;
	s0 =	simm.s32 @!p1 $0x0  }
0x14: {  	s2 =	sld [smem:$0x3F9C];
	s0 =	simm.s32 @p1 $0x1  }
0x15: {  	[smem:$0x3FB9] =	sst s0;
	s0 =	simm.s32 @!p2 $0x0  }
0x16: {  	s3 =	sld [smem:$0x3FDB];
	s0 =	simm.s32 @p2 $0x1  }
0x17: {  	s4 =	simm.s32 $0x1BF5;
	[smem:$0x3FBB] =	sst s0  }
0x18: {  	s0 =	sld [smem:$0x3F9E];
	_ =	swait.ge [sflag:s4], $0x0  }
0x19: {  	s7 =	sld [smem:$0x3F9F]  }
0x1a: {  	s8 =	sadd.s32 $0xFFFFE003, lr  }
0x1b: {  	s9 =	sadd.s32 $0xFFFFFEF7, lr;
	s5 =	simm.s32 $0xFFFFFFFF;
	p2 =	slt.u32 s8, $0xFFFFF086  }
0x1c: {  	p1 =	slt.u32 s9, $0xF7A;
	s5 =	simm.s32 @!p2 $0x0  }
0x1d: {  	s5 =	simm.s32 @p1 $0x1;
	p0 =	seq.s32 s7, s2  }
0x1e: {  	s7 =	smul.u32 @!p0 $0xF7A, s2;
	p2 =	seq.s32 @!p0 s5, $0x0  }
0x1f: {  	s9 =	smul.u32 $0xF7A, s1;
	s8 =	simm.s32 @!p0 $0x1BF5;
	p2 =	por !p2, p0  }
0x20: {  	[sflag:s8] =	ssyncset.s32 @!p0 $0xFFFFF086;
	s6 =	sadd.s32 @!p0 s3, s7;
	s7 =	simm.s32 @!p0 $0x108  }
0x21: {  	s3 =	sadd.s32 s3, s9;
	s6 =	sadd.s32 @!p0 $0x88, s6;
	s7 =	simm.s32 @p2 $0x1082  }
0x22: {  	[simem:s7], [sflag:s8] =	dma.local @!p0 [hbm:s6], $0xF7A  }
0x23: {  	s9 =	sor.u32 $0xD0000000, s2;
	s6 =	simm.s32 $0x108;
	_ =	swait.ge @!p0 [sflag:s8], $0x0  }
0x24: {  	s3 =	sadd.s32 $0x88, s3;
	s6 =	simm.s32 @!p1 $0x1082;
	[sflag:s4] =	ssyncset.s32 $0xFFFFF086  }
0x25: {  	[simem:s6], [sflag:s4] =	dma.local [hbm:s3], $0xF7A  }
0x26: {  	[smem:$0x3F9F] =	sst s1;
	(tag) =	ssettag s2;
	_ =	strace s9  }
0x27: {  	s1 =	sld [smem:$0x3FAF]  }
0x28: {  	s2 =	sld [smem:$0x3FB0]  }
0x29: {  	s4 =	sld [smem:$0x3FB2]  }
0x2a: {  	p0 =	seq.s32 s5, $0x0;
	s5 =	sld [smem:$0x3FB3]  }
0x2b: {  	s6 =	sld [smem:$0x3FB4]  }
0x2c: {  	s7 =	sld [smem:$0x3FB5]  }
0x2d: {  	s3 =	simm.s32 $0x108;
	s8 =	sld [smem:$0x3FB6]  }
0x2e: {  	s3 =	simm.s32 @!p0 $0x1082;
	s9 =	sld [smem:$0x3FB7]  }
0x2f: {  	lr =	sadd.s32 s0, s3;
	s0 =	sld [smem:$0x3FAE]  }
0x30: {  	s3 =	sld [smem:$0x3FB1]  }
0x31: {  	[smem:$0x3FBA] =	sst s10  }
0x32: {  	s10 =	sld [smem:$0x3FB8];
	_ =	sdelay $0x3  }
0x33: {  	p0 =	seq.s32 s10, $0x1;
	s10 =	sld [smem:$0x3FBA];
	_ =	sdelay $0x3  }
0x34: {  	[smem:$0x3FBA] =	sst s10  }
0x35: {  	s10 =	sld [smem:$0x3FB9];
	_ =	sdelay $0x3  }
0x36: {  	p1 =	seq.s32 s10, $0x1;
	s10 =	sld [smem:$0x3FBA];
	_ =	sdelay $0x3  }
0x37: {  	[smem:$0x3FBA] =	sst s10  }
0x38: {  	s10 =	sld [smem:$0x3FBB]  }
0x39: {  	_ = 	snop;
	(pc) =	sbr.ind lr, $3  }
0x3a: {  	_ = 	snop  }
0x3b: {  	_ = 	snop  }
0x3c: {  	p2 =	seq.s32 s10, $0x1;
	s10 =	sld [smem:$0x3FBA]  }
0x3d: {  	_ =	shalt  }
0x3e: {  	_ =	shalt  }
0x3f: {  	_ =	shalt  }
0x40: {  	_ =	shalt  }
0x41: {  	_ =	shalt  }
0x42: {  	_ =	shalt  }
0x43: {  	_ =	shalt  }
0x44: {  	_ =	shalt  }
0x45: {  	_ =	shalt  }
0x46: {  	_ =	shalt  }
0x47: {  	_ =	shalt  }
0x48: {  	_ =	shalt  }
0x49: {  	_ =	shalt  }
0x4a: {  	_ =	shalt  }
0x4b: {  	_ =	shalt  }
0x4c: {  	_ =	shalt  }
0x4d: {  	_ =	shalt  }
0x4e: {  	_ =	shalt  }
0x4f: {  	_ =	shalt  }
0x50: {  	_ =	shalt  }
0x51: {  	_ =	shalt  }
0x52: {  	_ =	shalt  }
0x53: {  	_ =	shalt  }
0x54: {  	_ =	shalt  }
0x55: {  	_ =	shalt  }
0x56: {  	_ =	shalt  }
0x57: {  	_ =	shalt  }
0x58: {  	_ =	shalt  }
0x59: {  	_ =	shalt  }
0x5a: {  	_ =	shalt  }
0x5b: {  	_ =	shalt  }
0x5c: {  	_ =	shalt  }
0x5d: {  	_ =	shalt  }
0x5e: {  	_ =	shalt  }
0x5f: {  	_ =	shalt  }
0x60: {  	_ =	shalt  }
0x61: {  	_ =	shalt  }
0x62: {  	_ =	shalt  }
0x63: {  	_ =	shalt  }
0x64: {  	_ =	shalt  }
0x65: {  	_ =	shalt  }
0x66: {  	_ =	shalt  }
0x67: {  	_ =	shalt  }
0x68: {  	_ =	shalt  }
0x69: {  	_ =	shalt  }
0x6a: {  	_ =	shalt  }
0x6b: {  	_ =	shalt  }
0x6c: {  	_ =	shalt  }
0x6d: {  	_ =	shalt  }
0x6e: {  	_ =	shalt  }
0x6f: {  	_ =	shalt  }
0x70: {  	_ =	shalt  }
0x71: {  	_ =	shalt  }
0x72: {  	_ =	shalt  }
0x73: {  	_ =	shalt  }
0x74: {  	_ =	shalt  }
0x75: {  	_ =	shalt  }
0x76: {  	_ =	shalt  }
0x77: {  	_ =	shalt  }
0x78: {  	_ =	shalt  }
0x79: {  	_ =	shalt  }
0x7a: {  	_ =	shalt  }
0x7b: {  	_ =	shalt  }
0x7c: {  	_ =	shalt  }
0x7d: {  	_ =	shalt  }
0x7e: {  	_ =	shalt  }
0x7f: {  	_ =	shalt  }
0x80: {  	_ =	shalt  }
0x81: {  	_ =	shalt  }
0x82: {  	_ =	shalt  }
0x83: {  	_ =	shalt  }
0x84: {  	_ =	shalt  }
0x85: {  	_ =	shalt  }
0x86: {  	_ =	shalt  }
0x87: {  	_ =	shalt  }
.Lfunc_end0:
.L_simem_size_0:
called_computation.1_lowered:
.L_overlay_start_0:
0x88: {  	s2 =	sld [smem:$0x3FD9]  }
0x89: {  	s3 =	sld [smem:$0x3FFE];
	_ =	sdelay $0x1  }
0x8a: {  	s1 =	srdreg.scid  }
0x8b: {  	s0 =	sand.u32 $0x1, s1  }
0x8c: {  	s17 =	sshll.u32 s0, $0xA;
	s2 =	sadd.s32 s3, s2  }
0x8d: {  	s2 =	sadd.s32 s2, s17  }
0x8e: {  	[smem:$0x3FC6] =	sst s2  }
0x8f: {  	_ = 	snop  }
0x90: {  	s2 =	sld [smem:$0x3FC9]  }
0x91: {  	s18 =	sld [smem:$0x3FD0];
	(tm) =	ssettm $0x1  }
0x92: {  	s4 =	sld [smem:$0x3FFB];
	_ =	sdelay $0x3  }
0x93: {  	_ =	strace s4  }
0x94: {  	s4 =	sld [smem:$0x3FFC];
	_ =	sdelay $0x3  }
0x95: {  	_ =	strace s4  }
0x96: {  	s4 =	sld [smem:$0x3FFD];
	_ =	sdelay $0x3  }
0x97: {  	_ =	strace s4  }
0x98: {  	_ =	strace $0x8FFFFFFF  }
0x99: {  	s19 =	sld [smem:$0x3FDB];
	_ =	sdelay $0x1  }
0x9a: {  	s5 =	simm.s32 $_scs_section_size  }
0x9b: {  	s6 =	simm.s32 $_size__tile_overlayer_lowered;
	s7 =	simm.s32 $_tile_overlayer_lowered  }
0x9c: {  	s22 =	simm.s32 $0x1BFF;
	s21 =	sshll.u32 s7, $0x1;
	s4 =	sadd.s32 s5, s19  }
0x9d: {  	s8 =	simm.s32 $0x0;
	s20 =	sshll.u32 s6, $0x1;
	s6 =	sadd.s32 s21, s4  }
0x9e: {  	[timem:s8], [sflag:s22] =	dma.local [hbm:s6], s20  }
0x9f: {  	_ =	swait.ge [sflag:s22], s20  }
0xa0: {  	s5 =	ssub.s32 $0x0, s20;
	[sflag:s22] =	ssyncset.done $0x0  }
0xa1: {  	[sflag:s22] =	ssyncadd.s32 s5;
	_ =	sdelay $0x1  }
0xa2: {  	s23 =	simm.s32 $0x1B8B  }
0xa3: {  	_ =	swait.ge [sflag:s23], $0x1  }
0xa4: {  	[sflag:s23] =	ssyncset.done $0x0  }
0xa5: {  	s25 =	simm.s32 $0x1B8E;
	s24 =	sld [smem:$0x3FFE];
	[sflag:s23] =	ssyncadd.s32 $0xFFFFFFFF  }
0xa6: {  	s26 =	simm.s32 $execute0_lowered;
	[smem:$0x3FD2] =	sst s25  }
0xa7: {  	s6 =	sshll.u32 s26, $0x1;
	_ =	strace $0x80000046;
	[dreg:$0x1] =	wrdreg $0xFFFFFFFF  }
0xa8: {  	s28 =	simm.s32 $_size_execute0_lowered;
	s4 =	sadd.s32 s4, s6;
	[dreg:$0x0] =	wrdreg $0x0  }
0xa9: {  	s6 =	sshll.u32 s28, $0x1;
	[dreg:$0x2] =	wrdreg s4  }
0xaa: {  	[dreg:$0x3] =	wrdreg s6  }
0xab: {  	[dreg:$0x4] =	wrdreg $0xC0  }
0xac: {  	_ =	task [dreg:s8], $0x5FFFF  }
0xad: {  	[dreg:$0x1] =	wrdreg $0xFFFFFFFF  }
0xae: {  	[dreg:$0x0] =	wrdreg $0x60  }
0xaf: {  	[dreg:$0x2] =	wrdreg s2  }
0xb0: {  	[dreg:$0x3] =	wrdreg s24  }
0xb1: {  	[dreg:$0x4] =	wrdreg s18  }
0xb2: {  	[dreg:$0x5] =	wrdreg $0x9  }
0xb3: {  	_ =	task.clear_ibuf [dreg:s8], $0x6FFFF;
	_ =	strace $0x90000046  }
0xb4: {  	s29 =	simm.s32 $0x9;
	_ =	strace $0x80000048  }
0xb5: {  	_ =	swait.ge [sflag:s29], $0x1  }
0xb6: {  	[sflag:s29] =	ssyncadd.s32 $0xFFFFFFFF  }
0xb7: {  	_ =	strace $0x90000048  }
0xb8: {  	_ =	sfence  }
0xb9: {  	s30 =	sld [smem:$0x0];
	_ =	sdelay $0x2  }
0xba: {  	s31 =	sshll.u32 s1, $0xD;
	s1 =	sshrl.u32 s1, $0x2  }
0xbb: {  	s3 =	sand.u32 $0x4000, s31;
	s1 =	sadd.s32 s1, s30  }
0xbc: {  	s0 =	sor.u32 s3, s0;
	s1 =	sshll.u32 s1, $0x11  }
0xbd: {  	s0 =	sor.u32 s1, s0  }
0xbe: {  	s0 =	sadd.s32 $0x8F2B, s0  }
0xbf: {  	[sflag:s0] =	ssyncadd.remote.s32 $0x1  }
0xc0: {  	_ =	sfence.sel $0xFFFF  }
0xc1: {  	[dreg:$0x0] =	wrdreg $0xFFFFFFFF;
	(pc) =	sbr.abs _section_cstart, $3  }
0xc2: {  	[dreg:$0x1] =	wrdreg $0xFFFFFFFF  }
0xc3: {  	_ =	task.clear_ibuf [dreg:s8], $0x2FFFF;
	_ =	strace $0x9FFFFFFF  }
0xc4: {  	(tm) =	ssettm $0x7FFFFFFF  }
0xc5: {  	_ =	shalt  }
tec
execute0_lowered:
.L_overlay_start_1:
0x0: {  	(tag) =	ssettag $0x1  }
0x1: {  	s8 =	rddreg [dreg:$0x0]  }
0x2: {  	s3 =	rddreg [dreg:$0x1]  }
0x3: {  	s1 =	rddreg [dreg:$0x2];
	s2 =	simm.s32 $0x0  }
0x4: {  	s4 =	srdreg.scid;
	[smem:$0x7FF] =	sst s2  }
0x5: {  	s6 =	sand.u32 $0x1, s4;
	s4 =	sadd.s32 $0xF42C00, s3;
	s3 =	stileid.u32  }
0x6: {  	s9 =	sadd.s32 $0x10000, s1;
	s22 =	sadd.s32 $0x20000, s1;
	s23 =	sadd.s32 $0x30000, s1  }
0x7: {  	s24 =	sadd.s32 $0x40000, s1;
	_ =	strace $0x80000047;
	[dreg:$0x4] =	wrdreg s9  }
0x8: {  	s25 =	sadd.s32 $0x50000, s1;
	[dreg:$0x5] =	wrdreg s22;
	s10 =	smul.u32 $0xC8000, s3  }
0x9: {  	s26 =	sadd.s32 $0x60000, s1;
	[dreg:$0x6] =	wrdreg s23;
	s11 =	smul.u32 $0xC8, s3  }
0xa: {  	s13 =	sadd.s32 $0x70000, s1;
	[dreg:$0x7] =	wrdreg s24;
	s12 =	smul.u32 $0x64, s6  }
0xb: {  	s5 =	ssub.s32 $0x2, s6;
	[dreg:$0x8] =	wrdreg s25;
	s28 =	smul.u32 $0x64000, s6  }
0xc: {  	s21 =	sshll.u32 s3, $0x1;
	[dreg:$0x9] =	wrdreg s26;
	s29 =	smul.u32 $0x19000, s3  }
0xd: {  	[dreg:$0xa] =	wrdreg s13;
	s30 =	smul.u32 $0xC800, s6;
	s7 =	sshrl.u32 s5, $0x1  }
0xe: {  	s13 =	simm.s32 $0x0;
	s7 =	ssub.s32 s5, s7;
	s5 =	sor.u32 s6, s21  }
0xf: {  	s11 =	sadd.s32 s12, s11;
	s12 =	simm.s32 $0x6;
	s5 =	smul.u32 $0x3200, s5  }
0x10: {  	s11 =	sshll.u32 s11, $0x7;
	s6 =	smax.u32 s7, $0x1;
	s7 =	sadd.s32 s28, s10  }
0x11: {  	s10 =	simm.s32 $0x80;
	s31 =	sadd.s32 s11, s8;
	s11 =	simm.s32 $0x5  }
0x12: {  	s5 =	sadd.s32 s8, s5;
	s8 =	sadd.s32 s30, s29;
	s9 =	sadd.s32 $0x80, s31  }
.LBB2_1:
0x13: {  	[tilespmem:s2], [sflag:$0x1] =	stream.linear.gather [hbm4b:s5+s2], $0x400, $0x38;
	[tilespmem:$0x10800] =	vst v63  }
0x14: {  	p0 =	por $0x0, $0x0  }
0x15: {  	s14 =	simm.s32 $0x1;
	s15 =	sand.u32 $0x1, s2;
	p0 =	por p0, p0  }
0x16: {  	s17 =	sadd.s32 $0x1, s15;
	s16 =	sand.u32 @!p0 $0x1, s14  }
0x17: {  	s19 =	simm.s32 @!p0 $0x0;
	s18 =	sshll.u32 @!p0 s16, $0xA;
	s16 =	sadd.s32 @!p0 $0x1, s16  }
0x18: {  	[tilespmem:s18], [sflag:s16] =	stream.linear.gather @!p0 [hbm4b:s9+s19], $0x400, $0x38;
	[tilespmem:$0x10800] =	vst v63  }
0x19: {  	_ =	swait.ge [sflag:s17], $0x400  }
0x1a: {  	p0 =	por $0x1, $0x1;
	[sflag:s17] =	ssyncset.done $0x0  }
0x1b: {  	s16 =	sadd.s32 @!p0 $0x5, s15;
	[sflag:s17] =	ssyncadd.s32 $0xFFFFFC00  }
0x1c: {  	_ =	swait.ge @!p0 [sflag:s16], $0x1000  }
0x1d: {  	[sflag:s16] =	ssyncset.done @!p0 $0x0  }
0x1e: {  	[sflag:s16] =	ssyncadd.s32 @!p0 $0xFFFFF000  }
0x1f: {  	_ =	swait.ge @!p0 [sflag:s16], $0x1000  }
0x20: {  	[sflag:s16] =	ssyncset.done @!p0 $0x0  }
0x21: {  	[sflag:s16] =	ssyncadd.s32 @!p0 $0xFFFFF000  }
0x22: {  	_ =	swait.ge @!p0 [sflag:s16], $0x1000  }
0x23: {  	[sflag:s16] =	ssyncset.done @!p0 $0x0  }
0x24: {  	[sflag:s16] =	ssyncadd.s32 @!p0 $0xFFFFF000  }
0x25: {  	_ =	swait.ge @!p0 [sflag:s16], $0x1000  }
0x26: {  	[sflag:s16] =	ssyncset.done @!p0 $0x0  }
0x27: {  	[sflag:s16] =	ssyncadd.s32 @!p0 $0xFFFFF000  }
0x28: {  	_ =	swait.ge @!p0 [sflag:s16], $0x1000  }
0x29: {  	[sflag:s16] =	ssyncset.done @!p0 $0x0  }
0x2a: {  	[sflag:s16] =	ssyncadd.s32 @!p0 $0xFFFFF000  }
0x2b: {  	_ =	swait.ge @!p0 [sflag:s16], $0x1000  }
0x2c: {  	[sflag:s16] =	ssyncset.done @!p0 $0x0  }
0x2d: {  	[sflag:s16] =	ssyncadd.s32 @!p0 $0xFFFFF000  }
0x2e: {  	_ =	swait.ge @!p0 [sflag:s16], $0x1000  }
0x2f: {  	[sflag:s16] =	ssyncset.done @!p0 $0x0  }
0x30: {  	[sflag:s16] =	ssyncadd.s32 @!p0 $0xFFFFF000  }
0x31: {  	_ =	swait.ge @!p0 [sflag:s16], $0x1000  }
0x32: {  	s0 =	sshll.u32 s15, $0xA;
	s19 =	sshll.u32 s15, $0xF;
	[sflag:s16] =	ssyncset.done @!p0 $0x0  }
0x33: {  	s18 =	sadd.s32 $0x3, s15;
	[sflag:s16] =	ssyncadd.s32 @!p0 $0xFFFFF000;
	s16 =	sor.u32 $0x800, s19  }
0x34: {  	[tilespmem:s16], [sflag:s18] =	stream.indirect.gather [hbm4b:s4+s10], $0x20, s0, s10, $0xb8;
	[tilespmem:$0x10800] =	vst v63  }
0x35: {  	s20 =	sor.u32 $0x80, s0;
	s21 =	sor.u32 $0x1800, s19  }
0x36: {  	[tilespmem:s21], [sflag:s18] =	stream.indirect.gather [hbm4b:s4+s10], $0x20, s20, s10, $0xb8;
	[tilespmem:$0x10800] =	vst v63  }
0x37: {  	s25 =	sor.u32 $0x100, s0;
	s22 =	sor.u32 $0x2800, s19  }
0x38: {  	[tilespmem:s22], [sflag:s18] =	stream.indirect.gather [hbm4b:s4+s10], $0x20, s25, s10, $0xb8;
	[tilespmem:$0x10800] =	vst v63  }
0x39: {  	s26 =	sor.u32 $0x180, s0;
	s23 =	sor.u32 $0x3800, s19  }
0x3a: {  	[tilespmem:s23], [sflag:s18] =	stream.indirect.gather [hbm4b:s4+s10], $0x20, s26, s10, $0xb8;
	[tilespmem:$0x10800] =	vst v63  }
0x3b: {  	s28 =	sor.u32 $0x200, s0;
	s24 =	sor.u32 $0x4800, s19  }
0x3c: {  	[tilespmem:s24], [sflag:s18] =	stream.indirect.gather [hbm4b:s4+s10], $0x20, s28, s10, $0xb8;
	[tilespmem:$0x10800] =	vst v63  }
0x3d: {  	s29 =	sor.u32 $0x280, s0;
	s25 =	sor.u32 $0x5800, s19  }
0x3e: {  	[tilespmem:s25], [sflag:s18] =	stream.indirect.gather [hbm4b:s4+s10], $0x20, s29, s10, $0xb8;
	[tilespmem:$0x10800] =	vst v63  }
0x3f: {  	s31 =	sor.u32 $0x300, s0;
	s26 =	sor.u32 $0x6800, s19  }
0x40: {  	[tilespmem:s26], [sflag:s18] =	stream.indirect.gather [hbm4b:s4+s10], $0x20, s31, s10, $0xb8;
	[tilespmem:$0x10800] =	vst v63  }
0x41: {  	s0 =	sor.u32 $0x380, s0;
	s20 =	sor.u32 $0x7800, s19  }
0x42: {  	[tilespmem:s20], [sflag:s18] =	stream.indirect.gather [hbm4b:s4+s10], $0x20, s0, s10, $0xb8;
	[tilespmem:$0x10800] =	vst v63  }
0x43: {  	_ =	swait.ge [sflag:s18], $0x1000  }
0x44: {  	[sflag:s18] =	ssyncset.done $0x0  }
0x45: {  	[sflag:s18] =	ssyncadd.s32 $0xFFFFF000  }
0x46: {  	_ =	swait.ge [sflag:s18], $0x1000  }
0x47: {  	[sflag:s18] =	ssyncset.done $0x0  }
0x48: {  	[sflag:s18] =	ssyncadd.s32 $0xFFFFF000  }
0x49: {  	_ =	swait.ge [sflag:s18], $0x1000  }
0x4a: {  	[sflag:s18] =	ssyncset.done $0x0  }
0x4b: {  	[sflag:s18] =	ssyncadd.s32 $0xFFFFF000  }
0x4c: {  	_ =	swait.ge [sflag:s18], $0x1000  }
0x4d: {  	[sflag:s18] =	ssyncset.done $0x0  }
0x4e: {  	[sflag:s18] =	ssyncadd.s32 $0xFFFFF000  }
0x4f: {  	_ =	swait.ge [sflag:s18], $0x1000  }
0x50: {  	[sflag:s18] =	ssyncset.done $0x0  }
0x51: {  	[sflag:s18] =	ssyncadd.s32 $0xFFFFF000  }
0x52: {  	_ =	swait.ge [sflag:s18], $0x1000  }
0x53: {  	[sflag:s18] =	ssyncset.done $0x0  }
0x54: {  	[sflag:s18] =	ssyncadd.s32 $0xFFFFF000  }
0x55: {  	_ =	swait.ge [sflag:s18], $0x1000  }
0x56: {  	[sflag:s18] =	ssyncset.done $0x0  }
0x57: {  	[sflag:s18] =	ssyncadd.s32 $0xFFFFF000  }
0x58: {  	p6 =	por $0x0, $0x0;
	s30 =	sadd.s32 $0x5, s15;
	_ =	swait.ge [sflag:s18], $0x1000  }
0x59: {  	s19 =	sand.u32 $0xFE00, s8;
	s28 =	sand.u32 $0xFF80000, s7;
	s29 =	rddreg [dreg:$0x4]  }
0x5a: {  	s28 =	sor.u32 s19, s28;
	[sflag:s18] =	ssyncset.done $0x0;
	s31 =	rddreg [dreg:$0x5]  }
0x5b: {  	s17 =	sadd.s32 s1, s28;
	s0 =	rddreg [dreg:$0x6];
	[sflag:s18] =	ssyncadd.s32 $0xFFFFF000  }
0x5c: {  	[hbm4b:s17+s2] =	stream.linear.scatter [tilespmem:s16], [sflag:s30], $0x1000, $0x38;
	[tilespmem:$0x10800] =	vst v63  }
0x5d: {  	p0 =	por p6, p6;
	s15 =	sadd.s32 s28, s29;
	s18 =	rddreg [dreg:$0x7]  }
0x5e: {  	[hbm4b:s15+s2] =	stream.linear.scatter [tilespmem:s21], [sflag:s30], $0x1000, $0x38;
	[tilespmem:$0x10800] =	vst v63  }
0x5f: {  	s19 =	sadd.s32 s28, s0;
	s29 =	rddreg [dreg:$0xa];
	s17 =	sadd.s32 s28, s31  }
0x60: {  	[hbm4b:s17+s2] =	stream.linear.scatter [tilespmem:s22], [sflag:s30], $0x1000, $0x38;
	[tilespmem:$0x10800] =	vst v63  }
0x61: {  	s16 =	sadd.s32 $0x200, s8;
	s21 =	rddreg [dreg:$0x8];
	s15 =	sadd.s32 $0x1000, s7  }
0x62: {  	[hbm4b:s19+s2] =	stream.linear.scatter [tilespmem:s23], [sflag:s30], $0x1000, $0x38;
	[tilespmem:$0x10800] =	vst v63  }
0x63: {  	s22 =	sadd.s32 s28, s18;
	s18 =	simm.s32 $0x2;
	s17 =	sand.u32 $0x1, s14  }
0x64: {  	[hbm4b:s22+s2] =	stream.linear.scatter [tilespmem:s24], [sflag:s30], $0x1000, $0x38;
	[tilespmem:$0x10800] =	vst v63  }
0x65: {  	s23 =	rddreg [dreg:$0x9];
	s19 =	sadd.s32 $0x80, s9;
	s24 =	sadd.s32 s28, s21  }
0x66: {  	[hbm4b:s24+s2] =	stream.linear.scatter [tilespmem:s25], [sflag:s30], $0x1000, $0x38;
	[tilespmem:$0x10800] =	vst v63  }
0x67: {  	s31 =	sadd.s32 s28, s23;
	s21 =	sand.u32 @!p0 $0x1, s18;
	s22 =	sadd.s32 s28, s29  }
0x68: {  	[hbm4b:s31+s2] =	stream.linear.scatter [tilespmem:s26], [sflag:s30], $0x1000, $0x38;
	[tilespmem:$0x10800] =	vst v63  }
.LBB2_2:
0x69: {  	s23 =	sadd.s32 $0x1, s17  }
0x6a: {  	[hbm4b:s22+s2] =	stream.linear.scatter [tilespmem:s20], [sflag:s30], $0x1000, $0x38;
	[tilespmem:$0x10800] =	vst v63  }
0x6b: {  	s20 =	sshll.u32 @!p0 s21, $0xA;
	s21 =	sadd.s32 @!p0 $0x1, s21;
	s22 =	simm.s32 @!p0 $0x0  }
0x6c: {  	[tilespmem:s20], [sflag:s21] =	stream.linear.gather @!p0 [hbm4b:s19+s22], $0x400, $0x38;
	[tilespmem:$0x10800] =	vst v63  }
0x6d: {  	p2 =	seq.s32 s18, $0x63;
	_ =	swait.ge [sflag:s23], $0x400  }
0x6e: {  	p0 =	por p2, p2;
	p2 =	slt.u32 s14, $0x2;
	[sflag:s23] =	ssyncset.done $0x0  }
0x6f: {  	s20 =	sadd.s32 @!p2 $0x5, s17;
	[sflag:s23] =	ssyncadd.s32 $0xFFFFFC00  }
0x70: {  	_ =	swait.ge @!p2 [sflag:s20], $0x1000  }
0x71: {  	[sflag:s20] =	ssyncset.done @!p2 $0x0  }
0x72: {  	[sflag:s20] =	ssyncadd.s32 @!p2 $0xFFFFF000  }
0x73: {  	_ =	swait.ge @!p2 [sflag:s20], $0x1000  }
0x74: {  	[sflag:s20] =	ssyncset.done @!p2 $0x0  }
0x75: {  	[sflag:s20] =	ssyncadd.s32 @!p2 $0xFFFFF000  }
0x76: {  	_ =	swait.ge @!p2 [sflag:s20], $0x1000  }
0x77: {  	[sflag:s20] =	ssyncset.done @!p2 $0x0  }
0x78: {  	[sflag:s20] =	ssyncadd.s32 @!p2 $0xFFFFF000  }
0x79: {  	_ =	swait.ge @!p2 [sflag:s20], $0x1000  }
0x7a: {  	[sflag:s20] =	ssyncset.done @!p2 $0x0  }
0x7b: {  	[sflag:s20] =	ssyncadd.s32 @!p2 $0xFFFFF000  }
0x7c: {  	_ =	swait.ge @!p2 [sflag:s20], $0x1000  }
0x7d: {  	[sflag:s20] =	ssyncset.done @!p2 $0x0  }
0x7e: {  	[sflag:s20] =	ssyncadd.s32 @!p2 $0xFFFFF000  }
0x7f: {  	_ =	swait.ge @!p2 [sflag:s20], $0x1000  }
0x80: {  	[sflag:s20] =	ssyncset.done @!p2 $0x0  }
0x81: {  	[sflag:s20] =	ssyncadd.s32 @!p2 $0xFFFFF000  }
0x82: {  	_ =	swait.ge @!p2 [sflag:s20], $0x1000  }
0x83: {  	[sflag:s20] =	ssyncset.done @!p2 $0x0  }
0x84: {  	[sflag:s20] =	ssyncadd.s32 @!p2 $0xFFFFF000  }
0x85: {  	s24 =	smov.u32 s18;
	_ =	swait.ge @!p2 [sflag:s20], $0x1000  }
0x86: {  	s30 =	sshll.u32 s17, $0xF;
	s29 =	sadd.s32 $0x3, s17;
	[sflag:s20] =	ssyncset.done @!p2 $0x0  }
0x87: {  	s31 =	sshll.u32 s17, $0xA;
	s23 =	sor.u32 $0x800, s30;
	[sflag:s20] =	ssyncadd.s32 @!p2 $0xFFFFF000  }
0x88: {  	[tilespmem:s23], [sflag:s29] =	stream.indirect.gather [hbm4b:s4+s10], $0x20, s31, s10, $0xb8;
	[tilespmem:$0x10800] =	vst v63  }
0x89: {  	s25 =	sor.u32 $0x80, s31;
	s14 =	smov.u32 s24;
	s24 =	sor.u32 $0x1800, s30  }
0x8a: {  	[tilespmem:s24], [sflag:s29] =	stream.indirect.gather [hbm4b:s4+s10], $0x20, s25, s10, $0xb8;
	[tilespmem:$0x10800] =	vst v63  }
0x8b: {  	s26 =	sor.u32 $0x100, s31;
	s25 =	sor.u32 $0x2800, s30  }
0x8c: {  	[tilespmem:s25], [sflag:s29] =	stream.indirect.gather [hbm4b:s4+s10], $0x20, s26, s10, $0xb8;
	[tilespmem:$0x10800] =	vst v63  }
0x8d: {  	s28 =	sor.u32 $0x180, s31;
	s26 =	sor.u32 $0x3800, s30  }
0x8e: {  	[tilespmem:s26], [sflag:s29] =	stream.indirect.gather [hbm4b:s4+s10], $0x20, s28, s10, $0xb8;
	[tilespmem:$0x10800] =	vst v63  }
0x8f: {  	s0 =	sor.u32 $0x200, s31;
	s28 =	sor.u32 $0x4800, s30  }
0x90: {  	[tilespmem:s28], [sflag:s29] =	stream.indirect.gather [hbm4b:s4+s10], $0x20, s0, s10, $0xb8;
	[tilespmem:$0x10800] =	vst v63  }
0x91: {  	s22 =	sor.u32 $0x5800, s30;
	s21 =	sor.u32 $0x280, s31  }
0x92: {  	[tilespmem:s22], [sflag:s29] =	stream.indirect.gather [hbm4b:s4+s10], $0x20, s21, s10, $0xb8;
	[tilespmem:$0x10800] =	vst v63  }
0x93: {  	s0 =	sor.u32 $0x300, s31;
	s21 =	sor.u32 $0x6800, s30  }
0x94: {  	[tilespmem:s21], [sflag:s29] =	stream.indirect.gather [hbm4b:s4+s10], $0x20, s0, s10, $0xb8;
	[tilespmem:$0x10800] =	vst v63  }
0x95: {  	s20 =	sor.u32 $0x7800, s30;
	s30 =	sor.u32 $0x380, s31  }
0x96: {  	[tilespmem:s20], [sflag:s29] =	stream.indirect.gather [hbm4b:s4+s10], $0x20, s30, s10, $0xb8;
	[tilespmem:$0x10800] =	vst v63  }
0x97: {  	_ =	swait.ge [sflag:s29], $0x1000  }
0x98: {  	[sflag:s29] =	ssyncset.done $0x0  }
0x99: {  	[sflag:s29] =	ssyncadd.s32 $0xFFFFF000  }
0x9a: {  	_ =	swait.ge [sflag:s29], $0x1000  }
0x9b: {  	[sflag:s29] =	ssyncset.done $0x0  }
0x9c: {  	[sflag:s29] =	ssyncadd.s32 $0xFFFFF000  }
0x9d: {  	_ =	swait.ge [sflag:s29], $0x1000  }
0x9e: {  	[sflag:s29] =	ssyncset.done $0x0  }
0x9f: {  	[sflag:s29] =	ssyncadd.s32 $0xFFFFF000  }
0xa0: {  	_ =	swait.ge [sflag:s29], $0x1000  }
0xa1: {  	[sflag:s29] =	ssyncset.done $0x0  }
0xa2: {  	[sflag:s29] =	ssyncadd.s32 $0xFFFFF000  }
0xa3: {  	_ =	swait.ge [sflag:s29], $0x1000  }
0xa4: {  	[sflag:s29] =	ssyncset.done $0x0  }
0xa5: {  	[sflag:s29] =	ssyncadd.s32 $0xFFFFF000  }
0xa6: {  	_ =	swait.ge [sflag:s29], $0x1000  }
0xa7: {  	[sflag:s29] =	ssyncset.done $0x0  }
0xa8: {  	[sflag:s29] =	ssyncadd.s32 $0xFFFFF000  }
0xa9: {  	_ =	swait.ge [sflag:s29], $0x1000  }
0xaa: {  	[sflag:s29] =	ssyncset.done $0x0  }
0xab: {  	[sflag:s29] =	ssyncadd.s32 $0xFFFFF000  }
0xac: {  	s31 =	sand.u32 $0xFE00, s16;
	s0 =	sand.u32 $0xFF80000, s15;
	_ =	swait.ge [sflag:s29], $0x1000  }
0xad: {  	s0 =	sor.u32 s31, s0;
	s30 =	sadd.s32 $0x5, s17;
	[sflag:s29] =	ssyncset.done $0x0  }
0xae: {  	s17 =	rddreg [dreg:$0x4];
	[sflag:s29] =	ssyncadd.s32 $0xFFFFF000;
	s29 =	sadd.s32 s1, s0  }
0xaf: {  	[hbm4b:s29+s2] =	stream.linear.scatter [tilespmem:s23], [sflag:s30], $0x1000, $0x38;
	[tilespmem:$0x10800] =	vst v63  }
0xb0: {  	s18 =	sadd.s32 $0x1, s18;
	s31 =	rddreg [dreg:$0x5];
	s17 =	sadd.s32 s0, s17  }
0xb1: {  	[hbm4b:s17+s2] =	stream.linear.scatter [tilespmem:s24], [sflag:s30], $0x1000, $0x38;
	[tilespmem:$0x10800] =	vst v63  }
0xb2: {  	p1 =	sne.s32 s18, $0x64;
	s31 =	sadd.s32 s0, s31;
	s29 =	rddreg [dreg:$0x6]  }
0xb3: {  	[hbm4b:s31+s2] =	stream.linear.scatter [tilespmem:s25], [sflag:s30], $0x1000, $0x38;
	[tilespmem:$0x10800] =	vst v63  }
0xb4: {  	s19 =	sadd.s32 $0x80, s19;
	s29 =	sadd.s32 s0, s29;
	s24 =	rddreg [dreg:$0x7]  }
0xb5: {  	[hbm4b:s29+s2] =	stream.linear.scatter [tilespmem:s26], [sflag:s30], $0x1000, $0x38;
	[tilespmem:$0x10800] =	vst v63  }
0xb6: {  	s16 =	sadd.s32 $0x200, s16;
	s31 =	rddreg [dreg:$0x8];
	s25 =	sadd.s32 s0, s24  }
0xb7: {  	[hbm4b:s25+s2] =	stream.linear.scatter [tilespmem:s28], [sflag:s30], $0x1000, $0x38;
	[tilespmem:$0x10800] =	vst v63  }
.Ltmp0:
0xb8: {  	s26 =	rddreg [dreg:$0x9];
	s28 =	sadd.s32 s0, s31;
	(pc) =	sbr.rel @p1 .LBB2_2-.Ltmp0, $4  }
0xb9: {  	[hbm4b:s28+s2] =	stream.linear.scatter [tilespmem:s22], [sflag:s30], $0x1000, $0x38;
	[tilespmem:$0x10800] =	vst v63  }
0xba: {  	s15 =	sadd.s32 $0x1000, s15;
	s29 =	rddreg [dreg:$0xa];
	s31 =	sadd.s32 s0, s26  }
0xbb: {  	[hbm4b:s31+s2] =	stream.linear.scatter [tilespmem:s21], [sflag:s30], $0x1000, $0x38;
	[tilespmem:$0x10800] =	vst v63  }
0xbc: {  	s17 =	sand.u32 $0x1, s14;
	s22 =	sadd.s32 s0, s29;
	s21 =	sand.u32 @!p0 $0x1, s18  }
0xbd: {  	s0 =	sadd.s32 $0x1, s17  }
0xbe: {  	[hbm4b:s22+s2] =	stream.linear.scatter [tilespmem:s20], [sflag:s30], $0x1000, $0x38;
	[tilespmem:$0x10800] =	vst v63  }
0xbf: {  	s18 =	sshll.u32 @!p0 s21, $0xA;
	s20 =	sadd.s32 @!p0 $0x1, s21;
	s21 =	simm.s32 @!p0 $0x0  }
0xc0: {  	[tilespmem:s18], [sflag:s20] =	stream.linear.gather @!p0 [hbm4b:s19+s21], $0x400, $0x38;
	[tilespmem:$0x10800] =	vst v63  }
0xc1: {  	_ =	swait.ge [sflag:s0], $0x400  }
0xc2: {  	p0 =	slt.u32 s14, $0x2;
	[sflag:s0] =	ssyncset.done $0x0  }
0xc3: {  	[sflag:s0] =	ssyncadd.s32 $0xFFFFFC00;
	s0 =	sadd.s32 @!p0 $0x5, s17  }
0xc4: {  	_ =	swait.ge @!p0 [sflag:s0], $0x1000  }
0xc5: {  	[sflag:s0] =	ssyncset.done @!p0 $0x0  }
0xc6: {  	[sflag:s0] =	ssyncadd.s32 @!p0 $0xFFFFF000  }
0xc7: {  	_ =	swait.ge @!p0 [sflag:s0], $0x1000  }
0xc8: {  	[sflag:s0] =	ssyncset.done @!p0 $0x0  }
0xc9: {  	[sflag:s0] =	ssyncadd.s32 @!p0 $0xFFFFF000  }
0xca: {  	_ =	swait.ge @!p0 [sflag:s0], $0x1000  }
0xcb: {  	[sflag:s0] =	ssyncset.done @!p0 $0x0  }
0xcc: {  	[sflag:s0] =	ssyncadd.s32 @!p0 $0xFFFFF000  }
0xcd: {  	_ =	swait.ge @!p0 [sflag:s0], $0x1000  }
0xce: {  	[sflag:s0] =	ssyncset.done @!p0 $0x0  }
0xcf: {  	[sflag:s0] =	ssyncadd.s32 @!p0 $0xFFFFF000  }
0xd0: {  	_ =	swait.ge @!p0 [sflag:s0], $0x1000  }
0xd1: {  	[sflag:s0] =	ssyncset.done @!p0 $0x0  }
0xd2: {  	[sflag:s0] =	ssyncadd.s32 @!p0 $0xFFFFF000  }
0xd3: {  	_ =	swait.ge @!p0 [sflag:s0], $0x1000  }
0xd4: {  	[sflag:s0] =	ssyncset.done @!p0 $0x0  }
0xd5: {  	[sflag:s0] =	ssyncadd.s32 @!p0 $0xFFFFF000  }
0xd6: {  	_ =	swait.ge @!p0 [sflag:s0], $0x1000  }
0xd7: {  	[sflag:s0] =	ssyncset.done @!p0 $0x0  }
0xd8: {  	[sflag:s0] =	ssyncadd.s32 @!p0 $0xFFFFF000  }
0xd9: {  	_ =	swait.ge @!p0 [sflag:s0], $0x1000  }
0xda: {  	s28 =	sshll.u32 s17, $0xF;
	s29 =	sadd.s32 $0x3, s17;
	[sflag:s0] =	ssyncset.done @!p0 $0x0  }
0xdb: {  	s31 =	sshll.u32 s17, $0xA;
	s30 =	sor.u32 $0x800, s28;
	[sflag:s0] =	ssyncadd.s32 @!p0 $0xFFFFF000  }
0xdc: {  	[tilespmem:s30], [sflag:s29] =	stream.indirect.gather [hbm4b:s4+s10], $0x20, s31, s10, $0xb8;
	[tilespmem:$0x10800] =	vst v63  }
0xdd: {  	s24 =	sor.u32 $0x80, s31;
	s20 =	sor.u32 $0x1800, s28  }
0xde: {  	[tilespmem:s20], [sflag:s29] =	stream.indirect.gather [hbm4b:s4+s10], $0x20, s24, s10, $0xb8;
	[tilespmem:$0x10800] =	vst v63  }
0xdf: {  	s25 =	sor.u32 $0x100, s31;
	s21 =	sor.u32 $0x2800, s28  }
0xe0: {  	[tilespmem:s21], [sflag:s29] =	stream.indirect.gather [hbm4b:s4+s10], $0x20, s25, s10, $0xb8;
	[tilespmem:$0x10800] =	vst v63  }
0xe1: {  	s22 =	sor.u32 $0x3800, s28;
	s23 =	sor.u32 $0x180, s31  }
0xe2: {  	[tilespmem:s22], [sflag:s29] =	stream.indirect.gather [hbm4b:s4+s10], $0x20, s23, s10, $0xb8;
	[tilespmem:$0x10800] =	vst v63  }
0xe3: {  	s24 =	sor.u32 $0x200, s31;
	s23 =	sor.u32 $0x4800, s28  }
0xe4: {  	[tilespmem:s23], [sflag:s29] =	stream.indirect.gather [hbm4b:s4+s10], $0x20, s24, s10, $0xb8;
	[tilespmem:$0x10800] =	vst v63  }
0xe5: {  	s25 =	sor.u32 $0x280, s31;
	s24 =	sor.u32 $0x5800, s28  }
0xe6: {  	[tilespmem:s24], [sflag:s29] =	stream.indirect.gather [hbm4b:s4+s10], $0x20, s25, s10, $0xb8;
	[tilespmem:$0x10800] =	vst v63  }
0xe7: {  	s26 =	sor.u32 $0x300, s31;
	s25 =	sor.u32 $0x6800, s28  }
0xe8: {  	[tilespmem:s25], [sflag:s29] =	stream.indirect.gather [hbm4b:s4+s10], $0x20, s26, s10, $0xb8;
	[tilespmem:$0x10800] =	vst v63  }
0xe9: {  	s14 =	sor.u32 $0x7800, s28;
	s19 =	sor.u32 $0x380, s31  }
0xea: {  	[tilespmem:s14], [sflag:s29] =	stream.indirect.gather [hbm4b:s4+s10], $0x20, s19, s10, $0xb8;
	[tilespmem:$0x10800] =	vst v63  }
0xeb: {  	_ =	swait.ge [sflag:s29], $0x1000  }
0xec: {  	[sflag:s29] =	ssyncset.done $0x0  }
0xed: {  	[sflag:s29] =	ssyncadd.s32 $0xFFFFF000  }
0xee: {  	_ =	swait.ge [sflag:s29], $0x1000  }
0xef: {  	[sflag:s29] =	ssyncset.done $0x0  }
0xf0: {  	[sflag:s29] =	ssyncadd.s32 $0xFFFFF000  }
0xf1: {  	_ =	swait.ge [sflag:s29], $0x1000  }
0xf2: {  	[sflag:s29] =	ssyncset.done $0x0  }
0xf3: {  	[sflag:s29] =	ssyncadd.s32 $0xFFFFF000  }
0xf4: {  	_ =	swait.ge [sflag:s29], $0x1000  }
0xf5: {  	[sflag:s29] =	ssyncset.done $0x0  }
0xf6: {  	[sflag:s29] =	ssyncadd.s32 $0xFFFFF000  }
0xf7: {  	_ =	swait.ge [sflag:s29], $0x1000  }
0xf8: {  	[sflag:s29] =	ssyncset.done $0x0  }
0xf9: {  	[sflag:s29] =	ssyncadd.s32 $0xFFFFF000  }
0xfa: {  	_ =	swait.ge [sflag:s29], $0x1000  }
0xfb: {  	[sflag:s29] =	ssyncset.done $0x0  }
0xfc: {  	[sflag:s29] =	ssyncadd.s32 $0xFFFFF000  }
0xfd: {  	_ =	swait.ge [sflag:s29], $0x1000  }
0xfe: {  	[sflag:s29] =	ssyncset.done $0x0  }
0xff: {  	[sflag:s29] =	ssyncadd.s32 $0xFFFFF000  }
0x100: {  	s16 =	sand.u32 $0xFE00, s16;
	s15 =	sand.u32 $0xFF80000, s15;
	_ =	swait.ge [sflag:s29], $0x1000  }
0x101: {  	s15 =	sor.u32 s16, s15;
	s17 =	sadd.s32 $0x5, s17;
	[sflag:s29] =	ssyncset.done $0x0  }
0x102: {  	s28 =	sadd.s32 s1, s15;
	s26 =	rddreg [dreg:$0x4];
	[sflag:s29] =	ssyncadd.s32 $0xFFFFF000  }
0x103: {  	[hbm4b:s28+s2] =	stream.linear.scatter [tilespmem:s30], [sflag:s17], $0x1000, $0x38;
	[tilespmem:$0x10800] =	vst v63  }
0x104: {  	s29 =	rddreg [dreg:$0x5];
	s30 =	sadd.s32 s15, s26  }
0x105: {  	[hbm4b:s30+s2] =	stream.linear.scatter [tilespmem:s20], [sflag:s17], $0x1000, $0x38;
	[tilespmem:$0x10800] =	vst v63  }
0x106: {  	s31 =	rddreg [dreg:$0x6];
	s18 =	sadd.s32 s15, s29  }
0x107: {  	[hbm4b:s18+s2] =	stream.linear.scatter [tilespmem:s21], [sflag:s17], $0x1000, $0x38;
	[tilespmem:$0x10800] =	vst v63  }
0x108: {  	s19 =	rddreg [dreg:$0x7];
	s20 =	sadd.s32 s15, s31  }
0x109: {  	[hbm4b:s20+s2] =	stream.linear.scatter [tilespmem:s22], [sflag:s17], $0x1000, $0x38;
	[tilespmem:$0x10800] =	vst v63  }
0x10a: {  	s21 =	rddreg [dreg:$0x8];
	s22 =	sadd.s32 s15, s19  }
0x10b: {  	[hbm4b:s22+s2] =	stream.linear.scatter [tilespmem:s23], [sflag:s17], $0x1000, $0x38;
	[tilespmem:$0x10800] =	vst v63  }
0x10c: {  	s26 =	rddreg [dreg:$0x9];
	s28 =	sadd.s32 s15, s21  }
0x10d: {  	[hbm4b:s28+s2] =	stream.linear.scatter [tilespmem:s24], [sflag:s17], $0x1000, $0x38;
	[tilespmem:$0x10800] =	vst v63  }
0x10e: {  	s29 =	rddreg [dreg:$0xa];
	s30 =	sadd.s32 s15, s26  }
0x10f: {  	[hbm4b:s30+s2] =	stream.linear.scatter [tilespmem:s25], [sflag:s17], $0x1000, $0x38;
	[tilespmem:$0x10800] =	vst v63  }
0x110: {  	s31 =	sadd.s32 s15, s29  }
0x111: {  	[hbm4b:s31+s2] =	stream.linear.scatter [tilespmem:s14], [sflag:s17], $0x1000, $0x38;
	[tilespmem:$0x10800] =	vst v63  }
0x112: {  	_ =	swait.ge [sflag:s11], $0x1000  }
0x113: {  	[sflag:s11] =	ssyncset.done $0x0  }
0x114: {  	[sflag:s11] =	ssyncadd.s32 $0xFFFFF000  }
0x115: {  	_ =	swait.ge [sflag:s11], $0x1000  }
0x116: {  	[sflag:s11] =	ssyncset.done $0x0  }
0x117: {  	[sflag:s11] =	ssyncadd.s32 $0xFFFFF000  }
0x118: {  	_ =	swait.ge [sflag:s11], $0x1000  }
0x119: {  	[sflag:s11] =	ssyncset.done $0x0  }
0x11a: {  	[sflag:s11] =	ssyncadd.s32 $0xFFFFF000  }
0x11b: {  	_ =	swait.ge [sflag:s11], $0x1000  }
0x11c: {  	[sflag:s11] =	ssyncset.done $0x0  }
0x11d: {  	[sflag:s11] =	ssyncadd.s32 $0xFFFFF000  }
0x11e: {  	_ =	swait.ge [sflag:s11], $0x1000  }
0x11f: {  	[sflag:s11] =	ssyncset.done $0x0  }
0x120: {  	[sflag:s11] =	ssyncadd.s32 $0xFFFFF000  }
0x121: {  	_ =	swait.ge [sflag:s11], $0x1000  }
0x122: {  	[sflag:s11] =	ssyncset.done $0x0  }
0x123: {  	[sflag:s11] =	ssyncadd.s32 $0xFFFFF000  }
0x124: {  	_ =	swait.ge [sflag:s11], $0x1000  }
0x125: {  	[sflag:s11] =	ssyncset.done $0x0  }
0x126: {  	[sflag:s11] =	ssyncadd.s32 $0xFFFFF000  }
0x127: {  	_ =	swait.ge [sflag:s11], $0x1000  }
0x128: {  	[sflag:s11] =	ssyncset.done $0x0  }
0x129: {  	[sflag:s11] =	ssyncadd.s32 $0xFFFFF000  }
0x12a: {  	_ =	swait.ge [sflag:s12], $0x1000  }
0x12b: {  	[sflag:s12] =	ssyncset.done $0x0  }
0x12c: {  	[sflag:s12] =	ssyncadd.s32 $0xFFFFF000  }
0x12d: {  	_ =	swait.ge [sflag:s12], $0x1000  }
0x12e: {  	[sflag:s12] =	ssyncset.done $0x0  }
0x12f: {  	[sflag:s12] =	ssyncadd.s32 $0xFFFFF000  }
0x130: {  	_ =	swait.ge [sflag:s12], $0x1000  }
0x131: {  	[sflag:s12] =	ssyncset.done $0x0  }
0x132: {  	[sflag:s12] =	ssyncadd.s32 $0xFFFFF000  }
0x133: {  	_ =	swait.ge [sflag:s12], $0x1000  }
0x134: {  	[sflag:s12] =	ssyncset.done $0x0  }
0x135: {  	[sflag:s12] =	ssyncadd.s32 $0xFFFFF000  }
0x136: {  	_ =	swait.ge [sflag:s12], $0x1000  }
0x137: {  	[sflag:s12] =	ssyncset.done $0x0  }
0x138: {  	[sflag:s12] =	ssyncadd.s32 $0xFFFFF000  }
0x139: {  	_ =	swait.ge [sflag:s12], $0x1000  }
0x13a: {  	[sflag:s12] =	ssyncset.done $0x0  }
0x13b: {  	s13 =	sadd.s32 $0x1, s13;
	[sflag:s12] =	ssyncadd.s32 $0xFFFFF000  }
0x13c: {  	p0 =	sne.s32 s13, s6;
	_ =	swait.ge [sflag:s12], $0x1000  }
.Ltmp1:
0x13d: {  	[sflag:s12] =	ssyncset.done $0x0;
	(pc) =	sbr.rel @p0 .LBB2_1-.Ltmp1, $4  }
0x13e: {  	[sflag:s12] =	ssyncadd.s32 $0xFFFFF000  }
0x13f: {  	_ =	swait.ge [sflag:s12], $0x1000  }
0x140: {  	[sflag:s12] =	ssyncset.done $0x0  }
0x141: {  	[sflag:s12] =	ssyncadd.s32 $0xFFFFF000  }
0x142: {  	_ =	sfence.sel $0x180000  }
0x143: {  	[bflag:$0x0] =	sbarrier.arrive $0xFFFF  }
0x144: {  	_ =	strace $0x90000047  }
0x145: {  	[bflag:$0x2] =	sbarrier.arrive $0xFFFF  }
0x146: {  	p0 =	sne.s32 s3, $0x0;
	s0 =	rddreg [dreg:$0x3]  }
0x147: {  	s0 =	sadd.s32 @!p0 $0x100000, s0  }
0x148: {  	[sflag:s0] =	ssyncadd.tile.s32 @!p0 $0x1;
	_ =	shalt  }
.Lfunc_end2:
_tile_overlayer_lowered:
.L_overlay_start_2:
0x149: {  	(tag) =	ssettag $0x2  }
0x14a: {  	s0 =	rddreg [dreg:$0x0];
	s2 =	stileid.u32  }
0x14b: {  	s1 =	rddreg [dreg:$0x1];
	p0 =	sne.s32 s2, $0x0  }
0x14c: {  	s3 =	rddreg [dreg:$0x2];
	[bflag:$0x3] =	sbarrier.arrive $0xFFFF;
	s2 =	simm.s32 @!p0 $0x1C07  }
0x14d: {  	[timem:s3], [sflag:s2] =	dma.local @!p0 [hbm:s0], s1  }
0x14e: {  	s0 =	simm.s32 @!p0 $0x7  }
0x14f: {  	_ =	swait.ge @!p0 [sflag:s0], s1  }
0x150: {  	s1 =	ssub.s32 @!p0 $0x0, s1;
	[sflag:s0] =	ssyncset.done @!p0 $0x0  }
0x151: {  	[sflag:s0] =	ssyncadd.s32 @!p0 s1  }
0x152: {  	[bflag:$0x3] =	sbarrier.arrive $0xFFFF  }
0x153: {  	_ =	shalt  }

// kernel: sparse-core-data-format-call.cloned.1.call-start
scs
called_computation_lowered:
.L_overlay_start_0:
0x0: {  	s2 =	sld [smem:$0x3FD9]  }
0x1: {  	s3 =	sld [smem:$0x3FFE];
	_ =	sdelay $0x1  }
0x2: {  	s1 =	srdreg.scid  }
0x3: {  	s0 =	sand.u32 $0x1, s1  }
0x4: {  	s18 =	sshll.u32 s0, $0xA;
	s2 =	sadd.s32 s3, s2  }
0x5: {  	s2 =	sadd.s32 s2, s18  }
0x6: {  	[smem:$0x3FC6] =	sst s2  }
0x7: {  	_ = 	snop  }
0x8: {  	s2 =	sld [smem:$0x3FD0];
	(tm) =	ssettm $0x1  }
0x9: {  	s19 =	sld [smem:$0x3FFB];
	_ =	sdelay $0x3  }
0xa: {  	_ =	strace s19  }
0xb: {  	s3 =	sld [smem:$0x3FFC];
	_ =	sdelay $0x3  }
0xc: {  	_ =	strace s3  }
0xd: {  	s3 =	sld [smem:$0x3FFD];
	_ =	sdelay $0x3  }
0xe: {  	_ =	strace s3  }
0xf: {  	_ =	strace $0x8FFFFFFF  }
0x10: {  	s20 =	sld [smem:$0x3FDB];
	_ =	sdelay $0x1  }
0x11: {  	s4 =	simm.s32 $_scs_section_size  }
0x12: {  	s5 =	simm.s32 $_size__tile_overlayer_lowered;
	s6 =	simm.s32 $_tile_overlayer_lowered  }
0x13: {  	s23 =	simm.s32 $0x1BFF;
	s22 =	sshll.u32 s6, $0x1;
	s3 =	sadd.s32 s4, s20  }
0x14: {  	s7 =	simm.s32 $0x0;
	s21 =	sshll.u32 s5, $0x1;
	s5 =	sadd.s32 s22, s3  }
0x15: {  	[timem:s7], [sflag:s23] =	dma.local [hbm:s5], s21  }
0x16: {  	_ =	swait.ge [sflag:s23], s21  }
0x17: {  	s4 =	ssub.s32 $0x0, s21;
	[sflag:s23] =	ssyncset.done $0x0  }
0x18: {  	[sflag:s23] =	ssyncadd.s32 s4;
	_ =	sdelay $0x1  }
0x19: {  	s24 =	simm.s32 $0x1B8B  }
0x1a: {  	_ =	swait.ge [sflag:s24], $0x1  }
0x1b: {  	[sflag:s24] =	ssyncset.done $0x0  }
0x1c: {  	s26 =	simm.s32 $0x1B8E;
	s25 =	sld [smem:$0x3FFE];
	[sflag:s24] =	ssyncadd.s32 $0xFFFFFFFF  }
0x1d: {  	s27 =	simm.s32 $execute0_lowered;
	[smem:$0x3FD2] =	sst s26  }
0x1e: {  	s5 =	sshll.u32 s27, $0x1;
	_ =	strace $0x80000049;
	[dreg:$0x1] =	wrdreg $0xFFFFFFFF  }
0x1f: {  	s28 =	simm.s32 $_size_execute0_lowered;
	s3 =	sadd.s32 s3, s5;
	[dreg:$0x0] =	wrdreg $0x0  }
0x20: {  	s5 =	sshll.u32 s28, $0x1;
	[dreg:$0x2] =	wrdreg s3  }
0x21: {  	[dreg:$0x3] =	wrdreg s5  }
0x22: {  	[dreg:$0x4] =	wrdreg $0xC0  }
0x23: {  	_ =	task [dreg:s7], $0x5FFFF  }
0x24: {  	[dreg:$0x1] =	wrdreg $0xFFFFFFFF  }
0x25: {  	[dreg:$0x0] =	wrdreg $0x60  }
0x26: {  	[dreg:$0x2] =	wrdreg s25  }
0x27: {  	[dreg:$0x3] =	wrdreg s2  }
0x28: {  	[dreg:$0x4] =	wrdreg $0x9  }
0x29: {  	_ =	task.clear_ibuf [dreg:s7], $0x5FFFF;
	_ =	strace $0x90000049  }
0x2a: {  	s29 =	simm.s32 $0x9;
	_ =	strace $0x8000004B  }
0x2b: {  	_ =	swait.ge [sflag:s29], $0x1  }
0x2c: {  	[sflag:s29] =	ssyncadd.s32 $0xFFFFFFFF  }
0x2d: {  	_ =	strace $0x9000004B  }
0x2e: {  	_ =	sfence  }
0x2f: {  	s30 =	sld [smem:$0x0];
	_ =	sdelay $0x2  }
0x30: {  	s31 =	sshll.u32 s1, $0xD;
	s1 =	sshrl.u32 s1, $0x2  }
0x31: {  	s3 =	sand.u32 $0x4000, s31;
	s1 =	sadd.s32 s1, s30  }
0x32: {  	s0 =	sor.u32 s3, s0;
	s1 =	sshll.u32 s1, $0x11  }
0x33: {  	s0 =	sor.u32 s1, s0  }
0x34: {  	s0 =	sadd.s32 $0x8F2B, s0  }
0x35: {  	[sflag:s0] =	ssyncadd.remote.s32 $0x1  }
0x36: {  	_ =	sfence.sel $0xFFFF  }
0x37: {  	[dreg:$0x0] =	wrdreg $0xFFFFFFFF;
	(pc) =	sbr.abs _section_cstart, $3  }
0x38: {  	[dreg:$0x1] =	wrdreg $0xFFFFFFFF  }
0x39: {  	_ =	task.clear_ibuf [dreg:s7], $0x2FFFF;
	_ =	strace $0x9FFFFFFF  }
0x3a: {  	(tm) =	ssettm $0x7FFFFFFF  }
0x3b: {  	_ =	shalt  }
tec
execute0_lowered:
.L_overlay_start_1:
0x0: {  	(tag) =	ssettag $0x1  }
0x1: {  	s0 =	srdreg.scid  }
0x2: {  	s1 =	sshll.u32 s0, $0x4  }
0x3: {  	s9 =	rddreg [dreg:$0x0];
	s0 =	stileid.u32;
	s1 =	sand.u32 $0x10, s1  }
0x4: {  	s3 =	rddreg [dreg:$0x1];
	s5 =	simm.s32 $0x1;
	s1 =	sor.u32 s0, s1  }
0x5: {  	s7 =	simm.s32 $0x2;
	s15 =	simm.s32 $0x0;
	s2 =	sshll.u32 s1, $0x7  }
0x6: {  	s11 =	simm.s32 $0x20000;
	s16 =	simm.s32 $0x0;
	s4 =	ssub.s32 $0x4000, s2  }
0x7: {  	s13 =	simm.s32 $0x0;
	s14 =	simm.s32 $0x0;
	s31 =	sand.u32 $0xF80, s4  }
0x8: {  	s8 =	sadd.s32 $0x80800, s9;
	s1 =	rddreg [dreg:$0x2];
	p0 =	sne.s32 s31, $0x0  }
.Ltmp0:
0x9: {  	s6 =	sshrl.u32 s4, $0xC;
	s5 =	simm.s32 @!p0 $0x0;
	(pc) =	sbr.rel .LBB1_1-.Ltmp0, $4  }
0xa: {  	_ =	strace $0x8000004A;
	s4 =	simm.s32 $0x1;
	s5 =	sadd.s32 s5, s6  }
0xb: {  	s12 =	smov.u32 s2;
	[sflag:s4] =	ssyncpa.u1 $0x0;
	s5 =	smul.u32 $0x32, s5  }
0xc: {  	[sflag:s7] =	ssyncpa.u1 $0x0;
	s7 =	sadd.s32 $0x40800, s9;
	p0 =	por $0x0, $0x0  }
0xd: {  	s6 =	sadd.s32 $0x800, s9;
	s9 =	sadd.s32 $0xC0800, s9;
	s10 =	sor.u32 $0x1, s5  }
.LBB1_7:
0xe: {  	s17 =	sadd.s32 $0x1000, s12  }
0xf: {  	s15 =	sadd.s32 $0x4, s13;
	s19 =	smov.u32 s13;
	p2 =	sgt.s32 s17, $0x3FFF  }
0x10: {  	s19 =	smov.u32 @p2 s15  }
0x11: {  	s17 =	smov.u32 @p2 s2;
	p2 =	sgt.s32 s19, $0xC7  }
0x12: {  	s19 =	simm.s32 @p2 $0x0;
	p2 =	sne.s32 s14, s10  }
.Ltmp1:
0x13: {  	p1 =	slt.u32 s14, $0x2;
	(pc) =	sbr.rel @!p2 .LBB1_8-.Ltmp1, $4  }
0x14: {  	s18 =	simm.s32 @!p1 $0x2  }
0x15: {  	s16 =	smov.u32 s13;
	p0 =	por !p0, !p0;
	_ =	swait.ge @!p1 [sflag:s18], $0x4000  }
0x16: {  	s15 =	smov.u32 s12;
	[sflag:s18] =	ssyncset.done @!p1 $0x0;
	s12 =	smov.u32 s17  }
0x17: {  	s14 =	sadd.s32 $0x1, s14;
	[sflag:s18] =	ssyncadd.s32 @!p1 $0xFFFFC000;
	s13 =	smov.u32 s19  }
.LBB1_1:
0x18: {  	p1 =	sge.u32 s14, s5  }
0x19: {  	s17 =	sxor.u32 @!p1 $0xFFFFFFFF, s14  }
0x1a: {  	s18 =	sshll.u32 @!p1 s13, $0x12;
	s19 =	sshll.u32 @!p1 s12, $0x4;
	s21 =	simm.s32 @!p1 $0x20  }
0x1b: {  	s17 =	sshll.u32 @!p1 s17, $0xE;
	s19 =	sand.u32 @!p1 $0x3FFF0, s19;
	s20 =	sadd.s32 @!p1 s6, s18  }
0x1c: {  	s22 =	simm.s32 @!p1 $0x80;
	s17 =	sand.u32 @!p1 $0x4000, s17;
	s20 =	sadd.s32 @!p1 s19, s20  }
0x1d: {  	[tilespmem:s17], [sflag:$0x1] =	stream.strided.gather @!p1 [hbm4b:s20+s21], $0x1000, s22, s21, $0x38;
	[tilespmem:$0x10100] =	vst v63  }
0x1e: {  	s20 =	sadd.s32 @!p1 s18, s7  }
0x1f: {  	s23 =	sor.u32 @!p1 $0x1000, s17;
	s20 =	sadd.s32 @!p1 s19, s20  }
0x20: {  	[tilespmem:s23], [sflag:$0x1] =	stream.strided.gather @!p1 [hbm4b:s20+s21], $0x1000, s22, s21, $0x38;
	[tilespmem:$0x10100] =	vst v63  }
0x21: {  	s20 =	sadd.s32 @!p1 s18, s8  }
0x22: {  	s23 =	sor.u32 @!p1 $0x2000, s17;
	s18 =	sadd.s32 @!p1 s18, s9;
	s20 =	sadd.s32 @!p1 s19, s20  }
0x23: {  	[tilespmem:s23], [sflag:$0x1] =	stream.strided.gather @!p1 [hbm4b:s20+s21], $0x1000, s22, s21, $0x38;
	[tilespmem:$0x10100] =	vst v63  }
0x24: {  	s31 =	sadd.s32 $0xFFFFFFFF, s14;
	s17 =	sor.u32 @!p1 $0x3000, s17;
	s18 =	sadd.s32 @!p1 s19, s18  }
0x25: {  	[tilespmem:s17], [sflag:$0x1] =	stream.strided.gather @!p1 [hbm4b:s18+s21], $0x1000, s22, s21, $0x38;
	[tilespmem:$0x10100] =	vst v63  }
0x26: {  	p1 =	sge.u32 s31, s5  }
.Ltmp2:
0x27: {  	_ = 	snop;
	(pc) =	sbr.rel @p1 .LBB1_7-.Ltmp2, $1  }
0x28: {  	_ =	sdelay $0x3  }
0x29: {  	s17 =	simm.s32 $0x1;
	s19 =	sand.u32 $0x1, s14  }
0x2a: {  	_ =	swait.ge [sflag:s4], $0x4000;
	s17 =	simm.s32 @!p0 $0x0;
	s20 =	smul.u32 $0x10200, s19  }
0x2b: {  	[sflag:s4] =	ssyncset.done $0x0;
	s18 =	smul.u32 $0x10200, s17  }
0x2c: {  	s17 =	sshll.u32 s17, $0xE;
	[sflag:s4] =	ssyncadd.s32 $0xFFFFC000  }
0x2d: {  	s19 =	sor.u32 $0x10, s17;
	s31 =	sshrl.u32 s20, $0x2;
	s18 =	sshrl.u32 s18, $0x2  }
0x2e: {  	s20 =	simm.s32 $0x0;
	s17 =	sor.u32 $0x8000, s31;
	s18 =	sor.u32 $0x8000, s18  }
.LBB1_3:
0x2f: {  	v1 =	vld [tilespmem:s19+$0x0]  }
0x30: {  	v0 =	vld [tilespmem:s19+$0xFFFFFFF0];
	_ =	sdelay $0x2  }
0x31: {  	s23 =	sadd.s32 $0x0, s18  }
0x32: {  	s21 =	simm.s32 $0x4;
	s22 =	sadd.s32 $0x20, s19;
	[tilespmem:s23+$0x810 ss:$0x81] =	vst.msk $0xffff, v1  }
.LBB1_4:
0x33: {  	v1 =	vld [tilespmem:s22+$0x0];
	p1 =	sne.s32 s21, $0x1FC;
	[tilespmem:s23+$0x0 ss:$0x81] =	vst.msk $0xffff, v0;
	s23 =	smov.u32 s21;
	s21 =	sadd.s32 $0x4, s21  }
.Ltmp3:
0x34: {  	v0 =	vld [tilespmem:s22+$0xFFFFFFF0];
	(pc) =	sbr.rel @p1 .LBB1_4-.Ltmp3, $4  }
0x35: {  	_ = 	snop  }
0x36: {  	s23 =	sshra.s32 s23, $0x2  }
0x37: {  	s23 =	sadd.s32 s23, s18  }
0x38: {  	s22 =	sadd.s32 $0x20, s22;
	[tilespmem:s23+$0x810 ss:$0x81] =	vst.msk $0xffff, v1  }
0x39: {  	s20 =	sadd.s32 $0x1, s20  }
0x3a: {  	p1 =	sne.s32 s20, $0x4  }
.Ltmp4:
0x3b: {  	_ = 	snop;
	(pc) =	sbr.rel @p1 .LBB1_3-.Ltmp4, $2  }
0x3c: {  	_ =	sdelay $0x2  }
0x3d: {  	[tilespmem:s23+$0x0 ss:$0x81] =	vst.msk $0xffff, v0;
	s18 =	sadd.s32 $0x1020, s18;
	s19 =	sadd.s32 $0x1000, s19  }
0x3e: {  	s18 =	sshll.u32 s15, $0x3;
	s19 =	sand.u32 $0x78, s15;
	s16 =	sshll.u32 s16, $0x10  }
.Ltmp5:
0x3f: {  	s30 =	sand.u32 $0xF800, s15;
	s18 =	sand.u32 $0x3C00, s18;
	(pc) =	sbr.rel .LBB1_7-.Ltmp5, $4  }
0x40: {  	s31 =	sand.u32 $0x7, s15;
	s16 =	sadd.s32 s3, s16;
	s18 =	sor.u32 s19, s18  }
0x41: {  	s15 =	sshll.u32 s31, $0x12;
	s16 =	sadd.s32 s30, s16;
	s18 =	sshrl.u32 s18, $0x3  }
0x42: {  	s15 =	sor.u32 $0x400, s15;
	s16 =	sadd.s32 s18, s16  }
0x43: {  	[hbm4b:s16+s15] =	stream.strided.scatter [tilespmem:s17], [sflag:$0x2], $0x4000, s11, s15, $0x20;
	[tilespmem:$0x10100] =	vst v63  }
.LBB1_8:
0x44: {  	_ =	sfence.sel $0x180000  }
0x45: {  	s2 =	simm.s32 $0x1;
	[bflag:$0x0] =	sbarrier.arrive $0xFFFF  }
0x46: {  	s31 =	simm.s32 $0x2;
	[sflag:s2] =	ssyncpa.u1 $0x1  }
0x47: {  	[sflag:s31] =	ssyncpa.u1 $0x1  }
0x48: {  	p0 =	sne.s32 s0, $0x0;
	_ =	strace $0x9000004A  }
0x49: {  	s0 =	sadd.s32 @!p0 $0x100000, s1;
	[bflag:$0x2] =	sbarrier.arrive $0xFFFF  }
0x4a: {  	[sflag:s0] =	ssyncadd.tile.s32 @!p0 $0x1;
	_ =	shalt  }
.Lfunc_end1:
_tile_overlayer_lowered:
.L_overlay_start_2:
0x4b: {  	(tag) =	ssettag $0x2  }
0x4c: {  	s0 =	rddreg [dreg:$0x0];
	s2 =	stileid.u32  }
0x4d: {  	s1 =	rddreg [dreg:$0x1];
	p0 =	sne.s32 s2, $0x0  }
0x4e: {  	s3 =	rddreg [dreg:$0x2];
	[bflag:$0x3] =	sbarrier.arrive $0xFFFF;
	s2 =	simm.s32 @!p0 $0x1C01  }
0x4f: {  	[timem:s3], [sflag:s2] =	dma.local @!p0 [hbm:s0], s1  }
0x50: {  	s0 =	simm.s32 @!p0 $0x1  }
0x51: {  	_ =	swait.ge @!p0 [sflag:s0], s1  }
0x52: {  	s1 =	ssub.s32 @!p0 $0x0, s1;
	[sflag:s0] =	ssyncset.done @!p0 $0x0  }
0x53: {  	[sflag:s0] =	ssyncadd.s32 @!p0 s1  }
0x54: {  	[bflag:$0x3] =	sbarrier.arrive $0xFFFF  }
0x55: {  	_ =	shalt  }

</sc_bundles>
